<compile_context>
chip_gen: v7x
topology: tpu7x:2x2x1
jax: 0.10.2.dev20260603
libtpu: 0.0.44.dev20260713+nightly
codegen_flags: <defaults>
</compile_context>

<pallas_src>
import functools

import jax
import jax.numpy as jnp
from jax import lax
from jax.experimental import pallas as pl
from jax.experimental.pallas import tpu as pltpu
from jax.experimental.pallas import tpu_sc as plsc

N = 10000
E = 320000
D = 128
DH = D // 2
EPS = 1e-5

NC = 2
NS = 16
NW = NC * NS

RPS = N // NS
ZR = 125

NPD = 10240
RPSD = NPD // NS

EPW = E // NW
C = 80
NCHUNK = EPW // C

BM = 1000
GRID = N // BM

_mesh = plsc.VectorSubcoreMesh(core_axis_name="c", subcore_axis_name="s")
_f32 = jnp.float32


@functools.partial(
    pl.kernel,
    out_type=jax.ShapeDtypeStruct((NC, NPD), _f32),
    mesh=_mesh,
    scratch_types=[
        pltpu.VMEM((NCHUNK, C), jnp.int32),
        pltpu.VMEM((C,), _f32),
        pltpu.VMEM((RPSD,), _f32),
        pltpu.VMEM_SHARED((NPD,), _f32),
    ],
)
def _deg_kernel(dst_hbm, out_hbm, dstv, onesv, zv, acc):
    c = lax.axis_index("c")
    s = lax.axis_index("s")
    wid = c * NS + s

    for j in range(C // 16):
        onesv[pl.ds(j * 16, 16)] = jnp.ones((16,), _f32)

    def zfill(i, carry):
        zv[pl.ds(i * 16, 16)] = jnp.zeros((16,), _f32)
        return carry

    lax.fori_loop(0, RPSD // 16, zfill, 0)
    pltpu.sync_copy(zv, acc.at[pl.ds(s * RPSD, RPSD)])
    plsc.subcore_barrier()

    pltpu.sync_copy(dst_hbm.at[wid], dstv)

    def chunk(j, carry):
        pltpu.sync_copy(onesv, acc.at[dstv.at[j]], add=True)
        return carry

    lax.fori_loop(0, NCHUNK, chunk, 0)
    plsc.subcore_barrier()

    pltpu.sync_copy(acc.at[pl.ds(s * RPSD, RPSD)],
                    out_hbm.at[c, pl.ds(s * RPSD, RPSD)])


@functools.partial(
    pl.kernel,
    out_type=jax.ShapeDtypeStruct((NC, 2, N, DH), _f32),
    mesh=_mesh,
    scratch_types=[
        pltpu.VMEM((NCHUNK, C), jnp.int32),
        pltpu.VMEM((NCHUNK, C), jnp.int32),
        pltpu.VMEM((C, DH), _f32),
        pltpu.VMEM((ZR, DH), _f32),
        pltpu.VMEM_SHARED((N, DH), _f32),
        pltpu.SemaphoreType.DMA,
    ],
    compiler_params=pltpu.CompilerParams(use_tc_tiling_on_sc=False),
)
def _scatter_kernel(ylo_hbm, yhi_hbm, src_hbm, dst_hbm, out_hbm, srcv, dstv,
                    rows, zbuf, acc, sem):
    c = lax.axis_index("c")
    s = lax.axis_index("s")
    wid = c * NS + s

    def zfill(i, carry):
        for j in range(DH // 16):
            zbuf[i, pl.ds(j * 16, 16)] = jnp.zeros((16,), _f32)
        return carry

    lax.fori_loop(0, ZR, zfill, 0)

    pltpu.sync_copy(src_hbm.at[wid], srcv)
    pltpu.sync_copy(dst_hbm.at[wid], dstv)

    for h, y_hbm in ((0, ylo_hbm), (1, yhi_hbm)):
        def zcopy(i, carry):
            pltpu.sync_copy(zbuf, acc.at[pl.ds(s * RPS + i * ZR, ZR), :])
            return carry

        lax.fori_loop(0, RPS // ZR, zcopy, 0)
        plsc.subcore_barrier()

        def chunk(j, carry):
            pltpu.async_copy(y_hbm.at[srcv.at[j]], rows, sem).wait()
            pltpu.sync_copy(rows, acc.at[dstv.at[j]], add=True)
            return carry

        lax.fori_loop(0, NCHUNK, chunk, 0)
        plsc.subcore_barrier()

        def ocopy(i, carry):
            r0 = s * RPS + i * ZR
            pltpu.sync_copy(acc.at[pl.ds(r0, ZR), :],
                            out_hbm.at[c, h, pl.ds(r0, ZR), :])
            return carry

        lax.fori_loop(0, RPS // ZR, ocopy, 0)


_HI = lax.Precision.HIGHEST


def _rows(i):
    return (i, 0)


def _full(*z):
    def im(i):
        return z
    return im


def _tc_pre(deg_t, x, Wg, Wl, bl):

    def body(deg_ref, x_ref, wg_ref, wl_ref, bl_ref, dinv_ref, ylo_ref,
             yhi_ref, x2_ref):
        deg = deg_ref[:, 0:1] + deg_ref[:, 1:2] + 1.0
        dinv = lax.rsqrt(deg)
        dinv_ref[...] = dinv
        xv = x_ref[...]
        y = jnp.dot(xv, wg_ref[...], precision=_HI) * dinv
        ylo_ref[...] = y[:, :DH]
        yhi_ref[...] = y[:, DH:]
        x2_ref[...] = jnp.dot(xv, wl_ref[...], precision=_HI) + bl_ref[...]

    return pl.pallas_call(
        body,
        grid=(GRID,),
        in_specs=[
            pl.BlockSpec((BM, 2), _rows),
            pl.BlockSpec((BM, D), _rows),
            pl.BlockSpec((D, D), _full(0, 0)),
            pl.BlockSpec((D, D), _full(0, 0)),
            pl.BlockSpec((1, D), _full(0, 0)),
        ],
        out_specs=(
            pl.BlockSpec((BM, 1), _rows),
            pl.BlockSpec((BM, DH), _rows),
            pl.BlockSpec((BM, DH), _rows),
            pl.BlockSpec((BM, D), _rows),
        ),
        out_shape=(
            jax.ShapeDtypeStruct((N, 1), _f32),
            jax.ShapeDtypeStruct((N, DH), _f32),
            jax.ShapeDtypeStruct((N, DH), _f32),
            jax.ShapeDtypeStruct((N, D), _f32),
        ),
    )(deg_t, x, Wg, Wl, bl)


def _tc_sum(sp, ylo, yhi, x2, dinv, bg):

    def body(sp_ref, ylo_ref, yhi_ref, x2_ref, dinv_ref, bg_ref,
             h_ref, sums_ref):
        i = pl.program_id(0)
        S = jnp.concatenate(
            [sp_ref[0, 0] + sp_ref[1, 0], sp_ref[0, 1] + sp_ref[1, 1]], axis=1)
        y = jnp.concatenate([ylo_ref[...], yhi_ref[...]], axis=1)
        h = dinv_ref[...] * (S + y) + bg_ref[...] + x2_ref[...]
        h_ref[...] = h
        blk = jnp.concatenate(
            [jnp.sum(h, axis=0, keepdims=True),
             jnp.sum(h * h, axis=0, keepdims=True)], axis=0)

        @pl.when(i == 0)
        def _():
            sums_ref[...] = blk

        @pl.when(i > 0)
        def _():
            sums_ref[...] += blk

    return pl.pallas_call(
        body,
        grid=(GRID,),
        in_specs=[
            pl.BlockSpec((NC, 2, BM, DH), lambda i: (0, 0, i, 0)),
            pl.BlockSpec((BM, DH), _rows),
            pl.BlockSpec((BM, DH), _rows),
            pl.BlockSpec((BM, D), _rows),
            pl.BlockSpec((BM, 1), _rows),
            pl.BlockSpec((1, D), _full(0, 0)),
        ],
        out_specs=(
            pl.BlockSpec((BM, D), _rows),
            pl.BlockSpec((2, D), _full(0, 0)),
        ),
        out_shape=(
            jax.ShapeDtypeStruct((N, D), _f32),
            jax.ShapeDtypeStruct((2, D), _f32),
        ),
    )(sp, ylo, yhi, x2, dinv, bg)


def _bn_elu(h_ref, sums_ref, g_ref, be_ref):
    mu = sums_ref[0:1, :] * (1.0 / N)
    var = sums_ref[1:2, :] * (1.0 / N) - mu * mu
    hn = (h_ref[...] - mu) * lax.rsqrt(var + EPS) * g_ref[...] + be_ref[...]
    return jnp.where(hn > 0, hn, jnp.exp(hn) - 1.0)


def _tc_mid(h, sums, g, be, dinv, Wg, Wl, bl):

    def body(h_ref, sums_ref, g_ref, be_ref, dinv_ref, wg_ref, wl_ref, bl_ref,
             y1lo_ref, y1hi_ref, x21_ref):
        h1 = _bn_elu(h_ref, sums_ref, g_ref, be_ref)
        y1 = jnp.dot(h1, wg_ref[...], precision=_HI) * dinv_ref[...]
        y1lo_ref[...] = y1[:, :DH]
        y1hi_ref[...] = y1[:, DH:]
        x21_ref[...] = jnp.dot(h1, wl_ref[...], precision=_HI) + bl_ref[...]

    return pl.pallas_call(
        body,
        grid=(GRID,),
        in_specs=[
            pl.BlockSpec((BM, D), _rows),
            pl.BlockSpec((2, D), _full(0, 0)),
            pl.BlockSpec((1, D), _full(0, 0)),
            pl.BlockSpec((1, D), _full(0, 0)),
            pl.BlockSpec((BM, 1), _rows),
            pl.BlockSpec((D, D), _full(0, 0)),
            pl.BlockSpec((D, D), _full(0, 0)),
            pl.BlockSpec((1, D), _full(0, 0)),
        ],
        out_specs=(
            pl.BlockSpec((BM, DH), _rows),
            pl.BlockSpec((BM, DH), _rows),
            pl.BlockSpec((BM, D), _rows),
        ),
        out_shape=(
            jax.ShapeDtypeStruct((N, DH), _f32),
            jax.ShapeDtypeStruct((N, DH), _f32),
            jax.ShapeDtypeStruct((N, D), _f32),
        ),
    )(h, sums, g, be, dinv, Wg, Wl, bl)


def _tc_out(h, sums, g, be, WoutT, bout):

    def body(h_ref, sums_ref, g_ref, be_ref, wo_ref, bo_ref, out_ref):
        h2 = _bn_elu(h_ref, sums_ref, g_ref, be_ref)
        out_ref[...] = (jnp.sum(h2 * wo_ref[...], axis=1, keepdims=True)
                        + bo_ref[...])

    return pl.pallas_call(
        body,
        grid=(GRID,),
        in_specs=[
            pl.BlockSpec((BM, D), _rows),
            pl.BlockSpec((2, D), _full(0, 0)),
            pl.BlockSpec((1, D), _full(0, 0)),
            pl.BlockSpec((1, D), _full(0, 0)),
            pl.BlockSpec((1, D), _full(0, 0)),
            pl.BlockSpec((1, 1), _full(0, 0)),
        ],
        out_specs=pl.BlockSpec((BM, 1), _rows),
        out_shape=jax.ShapeDtypeStruct((N, 1), _f32),
    )(h, sums, g, be, WoutT, bout)


def kernel(x, edge_index, Wg0, bg0, Wl0, bl0, g0, be0,
           Wg1, bg1, Wl1, bl1, g1, be1, Wout, bout):
    src = edge_index[0].reshape(NW, NCHUNK, C)
    dst = edge_index[1].reshape(NW, NCHUNK, C)

    degp = _deg_kernel(dst)
    deg_t = jnp.transpose(degp)[:N, :]

    dinv, y0lo, y0hi, x20 = _tc_pre(deg_t, x, Wg0, Wl0, bl0.reshape(1, D))
    sp0 = _scatter_kernel(y0lo, y0hi, src, dst)
    h1, sums1 = _tc_sum(sp0, y0lo, y0hi, x20, dinv, bg0.reshape(1, D))
    y1lo, y1hi, x21 = _tc_mid(h1, sums1, g0.reshape(1, D), be0.reshape(1, D),
                              dinv, Wg1, Wl1, bl1.reshape(1, D))
    sp1 = _scatter_kernel(y1lo, y1hi, src, dst)
    h2, sums2 = _tc_sum(sp1, y1lo, y1hi, x21, dinv, bg1.reshape(1, D))
    return _tc_out(h2, sums2, g1.reshape(1, D), be1.reshape(1, D),
                   Wout.reshape(1, D), bout.reshape(1, 1))

# --- scband reference (transcript-rebuilt; emitter-appended) ---
"""Pipeline reference for scband-gcnnet-46342697124056 (READ-ONLY COPY).

The authoritative reference and input builder live on the scoring server;
editing this copy changes nothing except your own understanding.
"""

import jax, jax.numpy as jnp
import numpy as np

N = 10000
E = 320000
D_IN = 128
D_H = 128
EPS = 1e-5


def setup_inputs(seed: int = 0) -> dict:
    key = jax.random.key(seed)
    ks = jax.random.split(key, 20)
    inp = {}
    inp['x'] = jax.random.normal(ks[0], (N, D_IN), dtype=jnp.float32)
    inp['edge_index'] = jax.random.randint(ks[1], (2, E), 0, N, dtype=jnp.int32)
    s_in = 1.0 / np.sqrt(D_IN)
    s_h = 1.0 / np.sqrt(D_H)
    inp['Wg0'] = jax.random.normal(ks[2], (D_IN, D_H), dtype=jnp.float32) * s_in
    inp['bg0'] = jnp.zeros((D_H,), dtype=jnp.float32)
    inp['Wl0'] = jax.random.normal(ks[3], (D_IN, D_H), dtype=jnp.float32) * s_in
    inp['bl0'] = jnp.zeros((D_H,), dtype=jnp.float32)
    inp['g0'] = jnp.ones((D_H,), dtype=jnp.float32)
    inp['be0'] = jnp.zeros((D_H,), dtype=jnp.float32)
    inp['Wg1'] = jax.random.normal(ks[4], (D_H, D_H), dtype=jnp.float32) * s_h
    inp['bg1'] = jnp.zeros((D_H,), dtype=jnp.float32)
    inp['Wl1'] = jax.random.normal(ks[5], (D_H, D_H), dtype=jnp.float32) * s_h
    inp['bl1'] = jnp.zeros((D_H,), dtype=jnp.float32)
    inp['g1'] = jnp.ones((D_H,), dtype=jnp.float32)
    inp['be1'] = jnp.zeros((D_H,), dtype=jnp.float32)
    inp['Wout'] = jax.random.normal(ks[6], (D_H, 1), dtype=jnp.float32) * s_h
    inp['bout'] = jnp.zeros((1,), dtype=jnp.float32)
    return inp


def _gcn_conv(x, src, dst, W, b):
    n = x.shape[0]
    loop = jnp.arange(n, dtype=src.dtype)
    s = jnp.concatenate([src, loop])
    d = jnp.concatenate([dst, loop])
    deg = jnp.zeros((n,), dtype=jnp.float32).at[d].add(1.0)
    dinv = jnp.where(deg > 0, 1.0 / jnp.sqrt(deg), 0.0)
    norm = dinv[s] * dinv[d]
    h = x @ W
    msg = h[s] * norm[:, None]
    out = jnp.zeros((n, W.shape[1]), dtype=jnp.float32).at[d].add(msg)
    return out + b


def _batch_norm(x, gamma, beta):
    mu = jnp.mean(x, axis=0)
    var = jnp.var(x, axis=0)
    return (x - mu) / jnp.sqrt(var + EPS) * gamma + beta


def _block(x, src, dst, Wg, bg, Wl, bl, g, be):
    x1 = _gcn_conv(x, src, dst, Wg, bg)
    x2 = x @ Wl + bl
    h = x1 + x2
    h = _batch_norm(h, g, be)
    return jax.nn.elu(h)


def reference(x, edge_index, Wg0, bg0, Wl0, bl0, g0, be0, Wg1, bg1, Wl1, bl1, g1, be1, Wout, bout):
    src, dst = edge_index[0], edge_index[1]
    h = _block(x, src, dst, Wg0, bg0, Wl0, bl0, g0, be0)
    h = _block(h, src, dst, Wg1, bg1, Wl1, bl1, g1, be1)
    return h @ Wout + bout

if __name__ == "__main__":
    import jax
    _d = setup_inputs()
    print(jax.jit(kernel)(*tuple(_d.values())))

</pallas_src>

<mosaic_0001>
#map = affine_map<(d0, d1) -> (0, 0, 0)>
#map1 = affine_map<(d0, d1) -> (0, 0)>
module attributes {stable_mosaic.version = 14 : i64} {
  func.func @_deg_kernel(%arg0: i32, %arg1: i32, %arg2: memref<32x125x80xi32, #tpu.memory_space<hbm>>, %arg3: memref<2x10240xf32, #tpu.memory_space<hbm>>, %arg4: memref<125x80xi32, #tpu.memory_space<vmem>>, %arg5: memref<80xf32, #tpu.memory_space<vmem>>, %arg6: memref<640xf32, #tpu.memory_space<vmem>>, %arg7: memref<10240xf32, #tpu.memory_space<vmem_shared>>) attributes {dimension_semantics = [#tpu.dimension_semantics<core_parallel>, #tpu.dimension_semantics<subcore_parallel>], iteration_bounds = array<i64: 2, 16>, scalar_prefetch = 0 : i64, scratch_operands = 4 : i64, tpu.core_type = #tpu.core_type<sc_vector_subcore>, window_params = [{transform_indices = #map}, {transform_indices = #map1}]} {
    %mul3A = arith.constant 16 : i32
    %mul3A_0 = arith.muli %arg0, %mul3A : i32
    %add3A = arith.addi %mul3A_0, %arg1 : i32
    %broadcast_in_dim3A = arith.constant 1.000000e+00 : f32
    %broadcast_in_dim3A_1 = vector.broadcast %broadcast_in_dim3A : f32 to vector<16xf32>
    %swap3A = arith.constant 0 : index
    %swap3A_2 = tpu.vector_load %arg5[%swap3A] {strides = array<i32>} : memref<80xf32, #tpu.memory_space<vmem>>, vector<16xf32>,
    %swap3A_3 = vector.shape_cast %swap3A_2 : vector<16xf32> to vector<16xf32>
    %swap3A_4 = vector.shape_cast %broadcast_in_dim3A_1 : vector<16xf32> to vector<16xf32>
    tpu.vector_store %arg5[%swap3A], %swap3A_4 {strides = array<i32>} : memref<80xf32, #tpu.memory_space<vmem>>, vector<16xf32>,
    %broadcast_in_dim3A_5 = arith.constant 1.000000e+00 : f32
    %broadcast_in_dim3A_6 = vector.broadcast %broadcast_in_dim3A_5 : f32 to vector<16xf32>
    %swap3A_7 = arith.constant 16 : index
    %swap3A_8 = tpu.vector_load %arg5[%swap3A_7] {strides = array<i32>} : memref<80xf32, #tpu.memory_space<vmem>>, vector<16xf32>,
    %swap3A_9 = vector.shape_cast %swap3A_8 : vector<16xf32> to vector<16xf32>
    %swap3A_10 = vector.shape_cast %broadcast_in_dim3A_6 : vector<16xf32> to vector<16xf32>
    tpu.vector_store %arg5[%swap3A_7], %swap3A_10 {strides = array<i32>} : memref<80xf32, #tpu.memory_space<vmem>>, vector<16xf32>,
    %broadcast_in_dim3A_11 = arith.constant 1.000000e+00 : f32
    %broadcast_in_dim3A_12 = vector.broadcast %broadcast_in_dim3A_11 : f32 to vector<16xf32>
    %swap3A_13 = arith.constant 32 : index
    %swap3A_14 = tpu.vector_load %arg5[%swap3A_13] {strides = array<i32>} : memref<80xf32, #tpu.memory_space<vmem>>, vector<16xf32>,
    %swap3A_15 = vector.shape_cast %swap3A_14 : vector<16xf32> to vector<16xf32>
    %swap3A_16 = vector.shape_cast %broadcast_in_dim3A_12 : vector<16xf32> to vector<16xf32>
    tpu.vector_store %arg5[%swap3A_13], %swap3A_16 {strides = array<i32>} : memref<80xf32, #tpu.memory_space<vmem>>, vector<16xf32>,
    %broadcast_in_dim3A_17 = arith.constant 1.000000e+00 : f32
    %broadcast_in_dim3A_18 = vector.broadcast %broadcast_in_dim3A_17 : f32 to vector<16xf32>
    %swap3A_19 = arith.constant 48 : index
    %swap3A_20 = tpu.vector_load %arg5[%swap3A_19] {strides = array<i32>} : memref<80xf32, #tpu.memory_space<vmem>>, vector<16xf32>,
    %swap3A_21 = vector.shape_cast %swap3A_20 : vector<16xf32> to vector<16xf32>
    %swap3A_22 = vector.shape_cast %broadcast_in_dim3A_18 : vector<16xf32> to vector<16xf32>
    tpu.vector_store %arg5[%swap3A_19], %swap3A_22 {strides = array<i32>} : memref<80xf32, #tpu.memory_space<vmem>>, vector<16xf32>,
    %broadcast_in_dim3A_23 = arith.constant 1.000000e+00 : f32
    %broadcast_in_dim3A_24 = vector.broadcast %broadcast_in_dim3A_23 : f32 to vector<16xf32>
    %swap3A_25 = arith.constant 64 : index
    %swap3A_26 = tpu.vector_load %arg5[%swap3A_25] {strides = array<i32>} : memref<80xf32, #tpu.memory_space<vmem>>, vector<16xf32>,
    %swap3A_27 = vector.shape_cast %swap3A_26 : vector<16xf32> to vector<16xf32>
    %swap3A_28 = vector.shape_cast %broadcast_in_dim3A_24 : vector<16xf32> to vector<16xf32>
    tpu.vector_store %arg5[%swap3A_25], %swap3A_28 {strides = array<i32>} : memref<80xf32, #tpu.memory_space<vmem>>, vector<16xf32>,
    %scan3A = arith.constant 0 : i32
    %scan3A_29 = arith.constant 0 : i32
    %scan3A_30 = arith.constant 40 : i32
    %scan3A_31 = arith.addi %scan3A_29, %scan3A_30 : i32
    %scan3A_32 = arith.constant 1 : i32
    scf.for %scan3A_47 = %scan3A_29 to %scan3A_31 step %scan3A_32  : i32 {
      %broadcast_in_dim3A_48 = arith.constant 0.000000e+00 : f32
      %broadcast_in_dim3A_49 = vector.broadcast %broadcast_in_dim3A_48 : f32 to vector<16xf32>
      %mul3A_50 = arith.constant 16 : i32
      %mul3A_51 = arith.muli %scan3A_47, %mul3A_50 : i32
      %swap3A_52 = arith.index_cast %mul3A_51 : i32 to index
      %swap3A_53 = tpu.vector_load %arg6[%swap3A_52] {strides = array<i32>} : memref<640xf32, #tpu.memory_space<vmem>>, vector<16xf32>,
      %swap3A_54 = vector.shape_cast %swap3A_53 : vector<16xf32> to vector<16xf32>
      %swap3A_55 = vector.shape_cast %broadcast_in_dim3A_49 : vector<16xf32> to vector<16xf32>
      tpu.vector_store %arg6[%swap3A_52], %swap3A_55 {strides = array<i32>} : memref<640xf32, #tpu.memory_space<vmem>>, vector<16xf32>,
    }
    %scan3A_33 = arith.constant 40 : i32
    %mul3A_34 = arith.constant 640 : i32
    %mul3A_35 = arith.muli %arg1, %mul3A_34 : i32
    "tpu.region"() ({
      %run_scoped3A = tpu.sem_alloc : memref<!tpu.dma_semaphore, #tpu.memory_space<semaphore_mem>>
      %dma_start3A = tpu.memref_slice %arg7[%mul3A_35] : memref<10240xf32, #tpu.memory_space<vmem_shared>> -> memref<640xf32, #tpu.memory_space<vmem_shared>>
      %dma_start3A_47 = tpu.memref_slice %arg7[%mul3A_35] : memref<10240xf32, #tpu.memory_space<vmem_shared>> -> memref<640xf32, #tpu.memory_space<vmem_shared>>
      tpu.enqueue_dma source(%arg6 : memref<640xf32, #tpu.memory_space<vmem>>) target(%dma_start3A_47 : memref<640xf32, #tpu.memory_space<vmem_shared>>) target_semaphore(%run_scoped3A : memref<!tpu.dma_semaphore, #tpu.memory_space<semaphore_mem>>)
      %dma_wait3A = tpu.memref_slice %arg7[%mul3A_35] : memref<10240xf32, #tpu.memory_space<vmem_shared>> -> memref<640xf32, #tpu.memory_space<vmem_shared>>
      %dma_wait3A_48 = tpu.memref_slice %arg7[%mul3A_35] : memref<10240xf32, #tpu.memory_space<vmem_shared>> -> memref<640xf32, #tpu.memory_space<vmem_shared>>
      tpu.wait_dma2 semaphore(%run_scoped3A : memref<!tpu.dma_semaphore, #tpu.memory_space<semaphore_mem>>) src(%arg6 : memref<640xf32, #tpu.memory_space<vmem>>) dst(%dma_wait3A_48 : memref<640xf32, #tpu.memory_space<vmem_shared>>)
      tpu.yield
    }) : () -> ()
    %barrier3A = arith.constant 0 : index
    tpu.barrier barrier_id(%barrier3A)
    "tpu.region"() ({
      %run_scoped3A = tpu.sem_alloc : memref<!tpu.dma_semaphore, #tpu.memory_space<semaphore_mem>>
      %dma_start3A = arith.constant 0 : i32
      %dma_start3A_47 = arith.constant 0 : i32
      %dma_start3A_48 = tpu.memref_slice %arg2[%add3A, %dma_start3A, %dma_start3A_47] : memref<32x125x80xi32, #tpu.memory_space<hbm>> -> memref<1x125x80xi32, #tpu.memory_space<hbm>>
      %dma_start3A_49 = tpu.memref_squeeze %dma_start3A_48 : memref<1x125x80xi32, #tpu.memory_space<hbm>> -> memref<125x80xi32, #tpu.memory_space<hbm>>
      %dma_start3A_50 = arith.constant 0 : i32
      %dma_start3A_51 = arith.constant 0 : i32
      %dma_start3A_52 = tpu.memref_slice %arg2[%add3A, %dma_start3A_50, %dma_start3A_51] : memref<32x125x80xi32, #tpu.memory_space<hbm>> -> memref<1x125x80xi32, #tpu.memory_space<hbm>>
      %dma_start3A_53 = tpu.memref_squeeze %dma_start3A_52 : memref<1x125x80xi32, #tpu.memory_space<hbm>> -> memref<125x80xi32, #tpu.memory_space<hbm>>
      tpu.enqueue_dma source(%dma_start3A_53 : memref<125x80xi32, #tpu.memory_space<hbm>>) target(%arg4 : memref<125x80xi32, #tpu.memory_space<vmem>>) target_semaphore(%run_scoped3A : memref<!tpu.dma_semaphore, #tpu.memory_space<semaphore_mem>>)
      %dma_wait3A = arith.constant 0 : i32
      %dma_wait3A_54 = arith.constant 0 : i32
      %dma_wait3A_55 = tpu.memref_slice %arg2[%add3A, %dma_wait3A, %dma_wait3A_54] : memref<32x125x80xi32, #tpu.memory_space<hbm>> -> memref<1x125x80xi32, #tpu.memory_space<hbm>>
      %dma_wait3A_56 = tpu.memref_squeeze %dma_wait3A_55 : memref<1x125x80xi32, #tpu.memory_space<hbm>> -> memref<125x80xi32, #tpu.memory_space<hbm>>
      %dma_wait3A_57 = arith.constant 0 : i32
      %dma_wait3A_58 = arith.constant 0 : i32
      %dma_wait3A_59 = tpu.memref_slice %arg2[%add3A, %dma_wait3A_57, %dma_wait3A_58] : memref<32x125x80xi32, #tpu.memory_space<hbm>> -> memref<1x125x80xi32, #tpu.memory_space<hbm>>
      %dma_wait3A_60 = tpu.memref_squeeze %dma_wait3A_59 : memref<1x125x80xi32, #tpu.memory_space<hbm>> -> memref<125x80xi32, #tpu.memory_space<hbm>>
      tpu.wait_dma2 semaphore(%run_scoped3A : memref<!tpu.dma_semaphore, #tpu.memory_space<semaphore_mem>>) src(%dma_wait3A_60 : memref<125x80xi32, #tpu.memory_space<hbm>>) dst(%arg4 : memref<125x80xi32, #tpu.memory_space<vmem>>)
      tpu.yield
    }) : () -> ()
    %scan3A_36 = arith.constant 0 : i32
    %scan3A_37 = arith.constant 0 : i32
    %scan3A_38 = arith.constant 125 : i32
    %scan3A_39 = arith.addi %scan3A_37, %scan3A_38 : i32
    %scan3A_40 = arith.constant 1 : i32
    scf.for %scan3A_47 = %scan3A_37 to %scan3A_39 step %scan3A_40  : i32 {
      "tpu.region"() ({
        %run_scoped3A = tpu.sem_alloc : memref<!tpu.dma_semaphore, #tpu.memory_space<semaphore_mem>>
        %dma_start3A = arith.constant 0 : i32
        %dma_start3A_48 = tpu.memref_slice %arg4[%scan3A_47, %dma_start3A] : memref<125x80xi32, #tpu.memory_space<vmem>> -> memref<1x80xi32, #tpu.memory_space<vmem>>
        %dma_start3A_49 = tpu.memref_squeeze %dma_start3A_48 : memref<1x80xi32, #tpu.memory_space<vmem>> -> memref<80xi32, #tpu.memory_space<vmem>>
        %dma_start3A_50 = arith.constant 0 : i32
        %dma_start3A_51 = tpu.memref_slice %arg7[%dma_start3A_50] : memref<10240xf32, #tpu.memory_space<vmem_shared>> -> memref<10240xf32, #tpu.memory_space<vmem_shared>>
        tpu.enqueue_indirect_dma source(%arg5 : memref<80xf32, #tpu.memory_space<vmem>>) target(%dma_start3A_51 : memref<10240xf32, #tpu.memory_space<vmem_shared>>) offsets(%dma_start3A_49 : memref<80xi32, #tpu.memory_space<vmem>>) semaphore(%run_scoped3A : memref<!tpu.dma_semaphore, #tpu.memory_space<semaphore_mem>>) {add = true}
        %dma_wait3A = arith.constant 0 : i32
        %dma_wait3A_52 = tpu.memref_slice %arg4[%scan3A_47, %dma_wait3A] : memref<125x80xi32, #tpu.memory_space<vmem>> -> memref<1x80xi32, #tpu.memory_space<vmem>>
        %dma_wait3A_53 = tpu.memref_squeeze %dma_wait3A_52 : memref<1x80xi32, #tpu.memory_space<vmem>> -> memref<80xi32, #tpu.memory_space<vmem>>
        %dma_wait3A_54 = arith.constant 0 : i32
        %dma_wait3A_55 = tpu.memref_slice %arg7[%dma_wait3A_54] : memref<10240xf32, #tpu.memory_space<vmem_shared>> -> memref<10240xf32, #tpu.memory_space<vmem_shared>>
        tpu.wait_indirect_dma semaphore(%run_scoped3A : memref<!tpu.dma_semaphore, #tpu.memory_space<semaphore_mem>>) src(%arg5 : memref<80xf32, #tpu.memory_space<vmem>>) dst(%dma_wait3A_55 : memref<10240xf32, #tpu.memory_space<vmem_shared>>)
        tpu.yield
      }) : () -> ()
    }
    %scan3A_41 = arith.constant 125 : i32
    %barrier3A_42 = arith.constant 0 : index
    tpu.barrier barrier_id(%barrier3A_42)
    %mul3A_43 = arith.constant 640 : i32
    %mul3A_44 = arith.muli %arg1, %mul3A_43 : i32
    %mul3A_45 = arith.constant 640 : i32
    %mul3A_46 = arith.muli %arg1, %mul3A_45 : i32
    "tpu.region"() ({
      %run_scoped3A = tpu.sem_alloc : memref<!tpu.dma_semaphore, #tpu.memory_space<semaphore_mem>>
      %dma_start3A = tpu.memref_slice %arg3[%arg0, %mul3A_46] : memref<2x10240xf32, #tpu.memory_space<hbm>> -> memref<1x640xf32, #tpu.memory_space<hbm>>
      %dma_start3A_47 = tpu.memref_squeeze %dma_start3A : memref<1x640xf32, #tpu.memory_space<hbm>> -> memref<640xf32, #tpu.memory_space<hbm>>
      %dma_start3A_48 = tpu.memref_slice %arg7[%mul3A_44] : memref<10240xf32, #tpu.memory_space<vmem_shared>> -> memref<640xf32, #tpu.memory_space<vmem_shared>>
      tpu.enqueue_dma source(%dma_start3A_48 : memref<640xf32, #tpu.memory_space<vmem_shared>>) target(%dma_start3A_47 : memref<640xf32, #tpu.memory_space<hbm>>) target_semaphore(%run_scoped3A : memref<!tpu.dma_semaphore, #tpu.memory_space<semaphore_mem>>)
      %dma_wait3A = tpu.memref_slice %arg3[%arg0, %mul3A_46] : memref<2x10240xf32, #tpu.memory_space<hbm>> -> memref<1x640xf32, #tpu.memory_space<hbm>>
      %dma_wait3A_49 = tpu.memref_squeeze %dma_wait3A : memref<1x640xf32, #tpu.memory_space<hbm>> -> memref<640xf32, #tpu.memory_space<hbm>>
      %dma_wait3A_50 = tpu.memref_slice %arg7[%mul3A_44] : memref<10240xf32, #tpu.memory_space<vmem_shared>> -> memref<640xf32, #tpu.memory_space<vmem_shared>>
      tpu.wait_dma2 semaphore(%run_scoped3A : memref<!tpu.dma_semaphore, #tpu.memory_space<semaphore_mem>>) src(%dma_wait3A_50 : memref<640xf32, #tpu.memory_space<vmem_shared>>) dst(%dma_wait3A_49 : memref<640xf32, #tpu.memory_space<hbm>>)
      tpu.yield
    }) : () -> ()
    return
  }
}

#map = affine_map<(d0, d1) -> (0, 0)>
#map1 = affine_map<(d0, d1) -> (0, 0, 0)>
#map2 = affine_map<(d0, d1) -> (0, 0, 0, 0)>
module attributes {stable_mosaic.version = 14 : i64} {
  func.func @_scatter_kernel(%arg0: i32, %arg1: i32, %arg2: memref<10000x64xf32, #tpu.memory_space<hbm>>, %arg3: memref<10000x64xf32, #tpu.memory_space<hbm>>, %arg4: memref<32x125x80xi32, #tpu.memory_space<hbm>>, %arg5: memref<32x125x80xi32, #tpu.memory_space<hbm>>, %arg6: memref<2x2x10000x64xf32, #tpu.memory_space<hbm>>, %arg7: memref<125x80xi32, #tpu.memory_space<vmem>>, %arg8: memref<125x80xi32, #tpu.memory_space<vmem>>, %arg9: memref<80x64xf32, #tpu.memory_space<vmem>>, %arg10: memref<125x64xf32, #tpu.memory_space<vmem>>, %arg11: memref<10000x64xf32, #tpu.memory_space<vmem_shared>>, %arg12: memref<!tpu.dma_semaphore, #tpu.memory_space<semaphore_mem>>) attributes {dimension_semantics = [#tpu.dimension_semantics<core_parallel>, #tpu.dimension_semantics<subcore_parallel>], iteration_bounds = array<i64: 2, 16>, scalar_prefetch = 0 : i64, scratch_operands = 6 : i64, tpu.core_type = #tpu.core_type<sc_vector_subcore>, window_params = [{transform_indices = #map}, {transform_indices = #map}, {transform_indices = #map1}, {transform_indices = #map1}, {transform_indices = #map2}]} {
    %mul3A = arith.constant 16 : i32
    %mul3A_0 = arith.muli %arg0, %mul3A : i32
    %add3A = arith.addi %mul3A_0, %arg1 : i32
    %scan3A = arith.constant 0 : i32
    %scan3A_1 = arith.constant 0 : i32
    %scan3A_2 = arith.constant 125 : i32
    %scan3A_3 = arith.addi %scan3A_1, %scan3A_2 : i32
    %scan3A_4 = arith.constant 1 : i32
    scf.for %scan3A_45 = %scan3A_1 to %scan3A_3 step %scan3A_4  : i32 {
      %broadcast_in_dim3A = arith.constant 0.000000e+00 : f32
      %broadcast_in_dim3A_46 = vector.broadcast %broadcast_in_dim3A : f32 to vector<16xf32>
      %swap3A = arith.index_cast %scan3A_45 : i32 to index
      %swap3A_47 = arith.constant 0 : index
      %swap3A_48 = tpu.vector_load %arg10[%swap3A, %swap3A_47] {strides = array<i32>} : memref<125x64xf32, #tpu.memory_space<vmem>>, vector<1x16xf32>,
      %swap3A_49 = vector.shape_cast %swap3A_48 : vector<1x16xf32> to vector<16xf32>
      %swap3A_50 = vector.shape_cast %broadcast_in_dim3A_46 : vector<16xf32> to vector<1x16xf32>
      tpu.vector_store %arg10[%swap3A, %swap3A_47], %swap3A_50 {strides = array<i32>} : memref<125x64xf32, #tpu.memory_space<vmem>>, vector<1x16xf32>,
      %broadcast_in_dim3A_51 = arith.constant 0.000000e+00 : f32
      %broadcast_in_dim3A_52 = vector.broadcast %broadcast_in_dim3A_51 : f32 to vector<16xf32>
      %swap3A_53 = arith.index_cast %scan3A_45 : i32 to index
      %swap3A_54 = arith.constant 16 : index
      %swap3A_55 = tpu.vector_load %arg10[%swap3A_53, %swap3A_54] {strides = array<i32>} : memref<125x64xf32, #tpu.memory_space<vmem>>, vector<1x16xf32>,
      %swap3A_56 = vector.shape_cast %swap3A_55 : vector<1x16xf32> to vector<16xf32>
      %swap3A_57 = vector.shape_cast %broadcast_in_dim3A_52 : vector<16xf32> to vector<1x16xf32>
      tpu.vector_store %arg10[%swap3A_53, %swap3A_54], %swap3A_57 {strides = array<i32>} : memref<125x64xf32, #tpu.memory_space<vmem>>, vector<1x16xf32>,
      %broadcast_in_dim3A_58 = arith.constant 0.000000e+00 : f32
      %broadcast_in_dim3A_59 = vector.broadcast %broadcast_in_dim3A_58 : f32 to vector<16xf32>
      %swap3A_60 = arith.index_cast %scan3A_45 : i32 to index
      %swap3A_61 = arith.constant 32 : index
      %swap3A_62 = tpu.vector_load %arg10[%swap3A_60, %swap3A_61] {strides = array<i32>} : memref<125x64xf32, #tpu.memory_space<vmem>>, vector<1x16xf32>,
      %swap3A_63 = vector.shape_cast %swap3A_62 : vector<1x16xf32> to vector<16xf32>
      %swap3A_64 = vector.shape_cast %broadcast_in_dim3A_59 : vector<16xf32> to vector<1x16xf32>
      tpu.vector_store %arg10[%swap3A_60, %swap3A_61], %swap3A_64 {strides = array<i32>} : memref<125x64xf32, #tpu.memory_space<vmem>>, vector<1x16xf32>,
      %broadcast_in_dim3A_65 = arith.constant 0.000000e+00 : f32
      %broadcast_in_dim3A_66 = vector.broadcast %broadcast_in_dim3A_65 : f32 to vector<16xf32>
      %swap3A_67 = arith.index_cast %scan3A_45 : i32 to index
      %swap3A_68 = arith.constant 48 : index
      %swap3A_69 = tpu.vector_load %arg10[%swap3A_67, %swap3A_68] {strides = array<i32>} : memref<125x64xf32, #tpu.memory_space<vmem>>, vector<1x16xf32>,
      %swap3A_70 = vector.shape_cast %swap3A_69 : vector<1x16xf32> to vector<16xf32>
      %swap3A_71 = vector.shape_cast %broadcast_in_dim3A_66 : vector<16xf32> to vector<1x16xf32>
      tpu.vector_store %arg10[%swap3A_67, %swap3A_68], %swap3A_71 {strides = array<i32>} : memref<125x64xf32, #tpu.memory_space<vmem>>, vector<1x16xf32>,
    }
    %scan3A_5 = arith.constant 125 : i32
    "tpu.region"() ({
      %run_scoped3A = tpu.sem_alloc : memref<!tpu.dma_semaphore, #tpu.memory_space<semaphore_mem>>
      %dma_start3A = arith.constant 0 : i32
      %dma_start3A_45 = arith.constant 0 : i32
      %dma_start3A_46 = tpu.memref_slice %arg4[%add3A, %dma_start3A, %dma_start3A_45] : memref<32x125x80xi32, #tpu.memory_space<hbm>> -> memref<1x125x80xi32, #tpu.memory_space<hbm>>
      %dma_start3A_47 = tpu.memref_squeeze %dma_start3A_46 : memref<1x125x80xi32, #tpu.memory_space<hbm>> -> memref<125x80xi32, #tpu.memory_space<hbm>>
      %dma_start3A_48 = arith.constant 0 : i32
      %dma_start3A_49 = arith.constant 0 : i32
      %dma_start3A_50 = tpu.memref_slice %arg4[%add3A, %dma_start3A_48, %dma_start3A_49] : memref<32x125x80xi32, #tpu.memory_space<hbm>> -> memref<1x125x80xi32, #tpu.memory_space<hbm>>
      %dma_start3A_51 = tpu.memref_squeeze %dma_start3A_50 : memref<1x125x80xi32, #tpu.memory_space<hbm>> -> memref<125x80xi32, #tpu.memory_space<hbm>>
      tpu.enqueue_dma source(%dma_start3A_51 : memref<125x80xi32, #tpu.memory_space<hbm>>) target(%arg7 : memref<125x80xi32, #tpu.memory_space<vmem>>) target_semaphore(%run_scoped3A : memref<!tpu.dma_semaphore, #tpu.memory_space<semaphore_mem>>)
      %dma_wait3A = arith.constant 0 : i32
      %dma_wait3A_52 = arith.constant 0 : i32
      %dma_wait3A_53 = tpu.memref_slice %arg4[%add3A, %dma_wait3A, %dma_wait3A_52] : memref<32x125x80xi32, #tpu.memory_space<hbm>> -> memref<1x125x80xi32, #tpu.memory_space<hbm>>
      %dma_wait3A_54 = tpu.memref_squeeze %dma_wait3A_53 : memref<1x125x80xi32, #tpu.memory_space<hbm>> -> memref<125x80xi32, #tpu.memory_space<hbm>>
      %dma_wait3A_55 = arith.constant 0 : i32
      %dma_wait3A_56 = arith.constant 0 : i32
      %dma_wait3A_57 = tpu.memref_slice %arg4[%add3A, %dma_wait3A_55, %dma_wait3A_56] : memref<32x125x80xi32, #tpu.memory_space<hbm>> -> memref<1x125x80xi32, #tpu.memory_space<hbm>>
      %dma_wait3A_58 = tpu.memref_squeeze %dma_wait3A_57 : memref<1x125x80xi32, #tpu.memory_space<hbm>> -> memref<125x80xi32, #tpu.memory_space<hbm>>
      tpu.wait_dma2 semaphore(%run_scoped3A : memref<!tpu.dma_semaphore, #tpu.memory_space<semaphore_mem>>) src(%dma_wait3A_58 : memref<125x80xi32, #tpu.memory_space<hbm>>) dst(%arg7 : memref<125x80xi32, #tpu.memory_space<vmem>>)
      tpu.yield
    }) : () -> ()
    "tpu.region"() ({
      %run_scoped3A = tpu.sem_alloc : memref<!tpu.dma_semaphore, #tpu.memory_space<semaphore_mem>>
      %dma_start3A = arith.constant 0 : i32
      %dma_start3A_45 = arith.constant 0 : i32
      %dma_start3A_46 = tpu.memref_slice %arg5[%add3A, %dma_start3A, %dma_start3A_45] : memref<32x125x80xi32, #tpu.memory_space<hbm>> -> memref<1x125x80xi32, #tpu.memory_space<hbm>>
      %dma_start3A_47 = tpu.memref_squeeze %dma_start3A_46 : memref<1x125x80xi32, #tpu.memory_space<hbm>> -> memref<125x80xi32, #tpu.memory_space<hbm>>
      %dma_start3A_48 = arith.constant 0 : i32
      %dma_start3A_49 = arith.constant 0 : i32
      %dma_start3A_50 = tpu.memref_slice %arg5[%add3A, %dma_start3A_48, %dma_start3A_49] : memref<32x125x80xi32, #tpu.memory_space<hbm>> -> memref<1x125x80xi32, #tpu.memory_space<hbm>>
      %dma_start3A_51 = tpu.memref_squeeze %dma_start3A_50 : memref<1x125x80xi32, #tpu.memory_space<hbm>> -> memref<125x80xi32, #tpu.memory_space<hbm>>
      tpu.enqueue_dma source(%dma_start3A_51 : memref<125x80xi32, #tpu.memory_space<hbm>>) target(%arg8 : memref<125x80xi32, #tpu.memory_space<vmem>>) target_semaphore(%run_scoped3A : memref<!tpu.dma_semaphore, #tpu.memory_space<semaphore_mem>>)
      %dma_wait3A = arith.constant 0 : i32
      %dma_wait3A_52 = arith.constant 0 : i32
      %dma_wait3A_53 = tpu.memref_slice %arg5[%add3A, %dma_wait3A, %dma_wait3A_52] : memref<32x125x80xi32, #tpu.memory_space<hbm>> -> memref<1x125x80xi32, #tpu.memory_space<hbm>>
      %dma_wait3A_54 = tpu.memref_squeeze %dma_wait3A_53 : memref<1x125x80xi32, #tpu.memory_space<hbm>> -> memref<125x80xi32, #tpu.memory_space<hbm>>
      %dma_wait3A_55 = arith.constant 0 : i32
      %dma_wait3A_56 = arith.constant 0 : i32
      %dma_wait3A_57 = tpu.memref_slice %arg5[%add3A, %dma_wait3A_55, %dma_wait3A_56] : memref<32x125x80xi32, #tpu.memory_space<hbm>> -> memref<1x125x80xi32, #tpu.memory_space<hbm>>
      %dma_wait3A_58 = tpu.memref_squeeze %dma_wait3A_57 : memref<1x125x80xi32, #tpu.memory_space<hbm>> -> memref<125x80xi32, #tpu.memory_space<hbm>>
      tpu.wait_dma2 semaphore(%run_scoped3A : memref<!tpu.dma_semaphore, #tpu.memory_space<semaphore_mem>>) src(%dma_wait3A_58 : memref<125x80xi32, #tpu.memory_space<hbm>>) dst(%arg8 : memref<125x80xi32, #tpu.memory_space<vmem>>)
      tpu.yield
    }) : () -> ()
    %scan3A_6 = arith.constant 0 : i32
    %scan3A_7 = arith.constant 0 : i32
    %scan3A_8 = arith.constant 5 : i32
    %scan3A_9 = arith.addi %scan3A_7, %scan3A_8 : i32
    %scan3A_10 = arith.constant 1 : i32
    scf.for %scan3A_45 = %scan3A_7 to %scan3A_9 step %scan3A_10  : i32 {
      %mul3A_46 = arith.constant 625 : i32
      %mul3A_47 = arith.muli %arg1, %mul3A_46 : i32
      %mul3A_48 = arith.constant 125 : i32
      %mul3A_49 = arith.muli %scan3A_45, %mul3A_48 : i32
      %add3A_50 = arith.addi %mul3A_47, %mul3A_49 : i32
      "tpu.region"() ({
        %run_scoped3A = tpu.sem_alloc : memref<!tpu.dma_semaphore, #tpu.memory_space<semaphore_mem>>
        %dma_start3A = arith.constant 0 : i32
        %dma_start3A_51 = tpu.memref_slice %arg11[%add3A_50, %dma_start3A] : memref<10000x64xf32, #tpu.memory_space<vmem_shared>> -> memref<125x64xf32, #tpu.memory_space<vmem_shared>>
        %dma_start3A_52 = arith.constant 0 : i32
        %dma_start3A_53 = tpu.memref_slice %arg11[%add3A_50, %dma_start3A_52] : memref<10000x64xf32, #tpu.memory_space<vmem_shared>> -> memref<125x64xf32, #tpu.memory_space<vmem_shared>>
        tpu.enqueue_dma source(%arg10 : memref<125x64xf32, #tpu.memory_space<vmem>>) target(%dma_start3A_53 : memref<125x64xf32, #tpu.memory_space<vmem_shared>>) target_semaphore(%run_scoped3A : memref<!tpu.dma_semaphore, #tpu.memory_space<semaphore_mem>>)
        %dma_wait3A = arith.constant 0 : i32
        %dma_wait3A_54 = tpu.memref_slice %arg11[%add3A_50, %dma_wait3A] : memref<10000x64xf32, #tpu.memory_space<vmem_shared>> -> memref<125x64xf32, #tpu.memory_space<vmem_shared>>
        %dma_wait3A_55 = arith.constant 0 : i32
        %dma_wait3A_56 = tpu.memref_slice %arg11[%add3A_50, %dma_wait3A_55] : memref<10000x64xf32, #tpu.memory_space<vmem_shared>> -> memref<125x64xf32, #tpu.memory_space<vmem_shared>>
        tpu.wait_dma2 semaphore(%run_scoped3A : memref<!tpu.dma_semaphore, #tpu.memory_space<semaphore_mem>>) src(%arg10 : memref<125x64xf32, #tpu.memory_space<vmem>>) dst(%dma_wait3A_56 : memref<125x64xf32, #tpu.memory_space<vmem_shared>>)
        tpu.yield
      }) : () -> ()
    }
    %scan3A_11 = arith.constant 5 : i32
    %barrier3A = arith.constant 0 : index
    tpu.barrier barrier_id(%barrier3A)
    %scan3A_12 = arith.constant 0 : i32
    %scan3A_13 = arith.constant 0 : i32
    %scan3A_14 = arith.constant 125 : i32
    %scan3A_15 = arith.addi %scan3A_13, %scan3A_14 : i32
    %scan3A_16 = arith.constant 1 : i32
    scf.for %scan3A_45 = %scan3A_13 to %scan3A_15 step %scan3A_16  : i32 {
      %dma_start3A = arith.constant 0 : i32
      %dma_start3A_46 = tpu.memref_slice %arg7[%scan3A_45, %dma_start3A] : memref<125x80xi32, #tpu.memory_space<vmem>> -> memref<1x80xi32, #tpu.memory_space<vmem>>
      %dma_start3A_47 = tpu.memref_squeeze %dma_start3A_46 : memref<1x80xi32, #tpu.memory_space<vmem>> -> memref<80xi32, #tpu.memory_space<vmem>>
      %dma_start3A_48 = arith.constant 0 : i32
      %dma_start3A_49 = arith.constant 0 : i32
      %dma_start3A_50 = tpu.memref_slice %arg2[%dma_start3A_48, %dma_start3A_49] : memref<10000x64xf32, #tpu.memory_space<hbm>> -> memref<10000x64xf32, #tpu.memory_space<hbm>>
      tpu.enqueue_indirect_dma source(%dma_start3A_50 : memref<10000x64xf32, #tpu.memory_space<hbm>>) target(%arg9 : memref<80x64xf32, #tpu.memory_space<vmem>>) offsets(%dma_start3A_47 : memref<80xi32, #tpu.memory_space<vmem>>) semaphore(%arg12 : memref<!tpu.dma_semaphore, #tpu.memory_space<semaphore_mem>>)
      %dma_wait3A = arith.constant 0 : i32
      %dma_wait3A_51 = tpu.memref_slice %arg7[%scan3A_45, %dma_wait3A] : memref<125x80xi32, #tpu.memory_space<vmem>> -> memref<1x80xi32, #tpu.memory_space<vmem>>
      %dma_wait3A_52 = tpu.memref_squeeze %dma_wait3A_51 : memref<1x80xi32, #tpu.memory_space<vmem>> -> memref<80xi32, #tpu.memory_space<vmem>>
      %dma_wait3A_53 = arith.constant 0 : i32
      %dma_wait3A_54 = arith.constant 0 : i32
      %dma_wait3A_55 = tpu.memref_slice %arg2[%dma_wait3A_53, %dma_wait3A_54] : memref<10000x64xf32, #tpu.memory_space<hbm>> -> memref<10000x64xf32, #tpu.memory_space<hbm>>
      tpu.wait_indirect_dma semaphore(%arg12 : memref<!tpu.dma_semaphore, #tpu.memory_space<semaphore_mem>>) src(%dma_wait3A_55 : memref<10000x64xf32, #tpu.memory_space<hbm>>) dst(%arg9 : memref<80x64xf32, #tpu.memory_space<vmem>>)
      "tpu.region"() ({
        %run_scoped3A = tpu.sem_alloc : memref<!tpu.dma_semaphore, #tpu.memory_space<semaphore_mem>>
        %dma_start3A_56 = arith.constant 0 : i32
        %dma_start3A_57 = tpu.memref_slice %arg8[%scan3A_45, %dma_start3A_56] : memref<125x80xi32, #tpu.memory_space<vmem>> -> memref<1x80xi32, #tpu.memory_space<vmem>>
        %dma_start3A_58 = tpu.memref_squeeze %dma_start3A_57 : memref<1x80xi32, #tpu.memory_space<vmem>> -> memref<80xi32, #tpu.memory_space<vmem>>
        %dma_start3A_59 = arith.constant 0 : i32
        %dma_start3A_60 = arith.constant 0 : i32
        %dma_start3A_61 = tpu.memref_slice %arg11[%dma_start3A_59, %dma_start3A_60] : memref<10000x64xf32, #tpu.memory_space<vmem_shared>> -> memref<10000x64xf32, #tpu.memory_space<vmem_shared>>
        tpu.enqueue_indirect_dma source(%arg9 : memref<80x64xf32, #tpu.memory_space<vmem>>) target(%dma_start3A_61 : memref<10000x64xf32, #tpu.memory_space<vmem_shared>>) offsets(%dma_start3A_58 : memref<80xi32, #tpu.memory_space<vmem>>) semaphore(%run_scoped3A : memref<!tpu.dma_semaphore, #tpu.memory_space<semaphore_mem>>) {add = true}
        %dma_wait3A_62 = arith.constant 0 : i32
        %dma_wait3A_63 = tpu.memref_slice %arg8[%scan3A_45, %dma_wait3A_62] : memref<125x80xi32, #tpu.memory_space<vmem>> -> memref<1x80xi32, #tpu.memory_space<vmem>>
        %dma_wait3A_64 = tpu.memref_squeeze %dma_wait3A_63 : memref<1x80xi32, #tpu.memory_space<vmem>> -> memref<80xi32, #tpu.memory_space<vmem>>
        %dma_wait3A_65 = arith.constant 0 : i32
        %dma_wait3A_66 = arith.constant 0 : i32
        %dma_wait3A_67 = tpu.memref_slice %arg11[%dma_wait3A_65, %dma_wait3A_66] : memref<10000x64xf32, #tpu.memory_space<vmem_shared>> -> memref<10000x64xf32, #tpu.memory_space<vmem_shared>>
        tpu.wait_indirect_dma semaphore(%run_scoped3A : memref<!tpu.dma_semaphore, #tpu.memory_space<semaphore_mem>>) src(%arg9 : memref<80x64xf32, #tpu.memory_space<vmem>>) dst(%dma_wait3A_67 : memref<10000x64xf32, #tpu.memory_space<vmem_shared>>)
        tpu.yield
      }) : () -> ()
    }
    %scan3A_17 = arith.constant 125 : i32
    %barrier3A_18 = arith.constant 0 : index
    tpu.barrier barrier_id(%barrier3A_18)
    %scan3A_19 = arith.constant 0 : i32
    %scan3A_20 = arith.constant 0 : i32
    %scan3A_21 = arith.constant 5 : i32
    %scan3A_22 = arith.addi %scan3A_20, %scan3A_21 : i32
    %scan3A_23 = arith.constant 1 : i32
    scf.for %scan3A_45 = %scan3A_20 to %scan3A_22 step %scan3A_23  : i32 {
      %mul3A_46 = arith.constant 625 : i32
      %mul3A_47 = arith.muli %arg1, %mul3A_46 : i32
      %mul3A_48 = arith.constant 125 : i32
      %mul3A_49 = arith.muli %scan3A_45, %mul3A_48 : i32
      %add3A_50 = arith.addi %mul3A_47, %mul3A_49 : i32
      %run_scoped3A = arith.constant 0 : i32
      "tpu.region"() ({
        %run_scoped3A_51 = tpu.sem_alloc : memref<!tpu.dma_semaphore, #tpu.memory_space<semaphore_mem>>
        %dma_start3A = arith.constant 0 : i32
        %dma_start3A_52 = tpu.memref_slice %arg6[%arg0, %run_scoped3A, %add3A_50, %dma_start3A] : memref<2x2x10000x64xf32, #tpu.memory_space<hbm>> -> memref<1x1x125x64xf32, #tpu.memory_space<hbm>>
        %dma_start3A_53 = tpu.memref_squeeze %dma_start3A_52 : memref<1x1x125x64xf32, #tpu.memory_space<hbm>> -> memref<125x64xf32, #tpu.memory_space<hbm>>
        %dma_start3A_54 = arith.constant 0 : i32
        %dma_start3A_55 = tpu.memref_slice %arg11[%add3A_50, %dma_start3A_54] : memref<10000x64xf32, #tpu.memory_space<vmem_shared>> -> memref<125x64xf32, #tpu.memory_space<vmem_shared>>
        tpu.enqueue_dma source(%dma_start3A_55 : memref<125x64xf32, #tpu.memory_space<vmem_shared>>) target(%dma_start3A_53 : memref<125x64xf32, #tpu.memory_space<hbm>>) target_semaphore(%run_scoped3A_51 : memref<!tpu.dma_semaphore, #tpu.memory_space<semaphore_mem>>)
        %dma_wait3A = arith.constant 0 : i32
        %dma_wait3A_56 = tpu.memref_slice %arg6[%arg0, %run_scoped3A, %add3A_50, %dma_wait3A] : memref<2x2x10000x64xf32, #tpu.memory_space<hbm>> -> memref<1x1x125x64xf32, #tpu.memory_space<hbm>>
        %dma_wait3A_57 = tpu.memref_squeeze %dma_wait3A_56 : memref<1x1x125x64xf32, #tpu.memory_space<hbm>> -> memref<125x64xf32, #tpu.memory_space<hbm>>
        %dma_wait3A_58 = arith.constant 0 : i32
        %dma_wait3A_59 = tpu.memref_slice %arg11[%add3A_50, %dma_wait3A_58] : memref<10000x64xf32, #tpu.memory_space<vmem_shared>> -> memref<125x64xf32, #tpu.memory_space<vmem_shared>>
        tpu.wait_dma2 semaphore(%run_scoped3A_51 : memref<!tpu.dma_semaphore, #tpu.memory_space<semaphore_mem>>) src(%dma_wait3A_59 : memref<125x64xf32, #tpu.memory_space<vmem_shared>>) dst(%dma_wait3A_57 : memref<125x64xf32, #tpu.memory_space<hbm>>)
        tpu.yield
      }) : () -> ()
    }
    %scan3A_24 = arith.constant 5 : i32
    %scan3A_25 = arith.constant 0 : i32
    %scan3A_26 = arith.constant 0 : i32
    %scan3A_27 = arith.constant 5 : i32
    %scan3A_28 = arith.addi %scan3A_26, %scan3A_27 : i32
    %scan3A_29 = arith.constant 1 : i32
    scf.for %scan3A_45 = %scan3A_26 to %scan3A_28 step %scan3A_29  : i32 {
      %mul3A_46 = arith.constant 625 : i32
      %mul3A_47 = arith.muli %arg1, %mul3A_46 : i32
      %mul3A_48 = arith.constant 125 : i32
      %mul3A_49 = arith.muli %scan3A_45, %mul3A_48 : i32
      %add3A_50 = arith.addi %mul3A_47, %mul3A_49 : i32
      "tpu.region"() ({
        %run_scoped3A = tpu.sem_alloc : memref<!tpu.dma_semaphore, #tpu.memory_space<semaphore_mem>>
        %dma_start3A = arith.constant 0 : i32
        %dma_start3A_51 = tpu.memref_slice %arg11[%add3A_50, %dma_start3A] : memref<10000x64xf32, #tpu.memory_space<vmem_shared>> -> memref<125x64xf32, #tpu.memory_space<vmem_shared>>
        %dma_start3A_52 = arith.constant 0 : i32
        %dma_start3A_53 = tpu.memref_slice %arg11[%add3A_50, %dma_start3A_52] : memref<10000x64xf32, #tpu.memory_space<vmem_shared>> -> memref<125x64xf32, #tpu.memory_space<vmem_shared>>
        tpu.enqueue_dma source(%arg10 : memref<125x64xf32, #tpu.memory_space<vmem>>) target(%dma_start3A_53 : memref<125x64xf32, #tpu.memory_space<vmem_shared>>) target_semaphore(%run_scoped3A : memref<!tpu.dma_semaphore, #tpu.memory_space<semaphore_mem>>)
        %dma_wait3A = arith.constant 0 : i32
        %dma_wait3A_54 = tpu.memref_slice %arg11[%add3A_50, %dma_wait3A] : memref<10000x64xf32, #tpu.memory_space<vmem_shared>> -> memref<125x64xf32, #tpu.memory_space<vmem_shared>>
        %dma_wait3A_55 = arith.constant 0 : i32
        %dma_wait3A_56 = tpu.memref_slice %arg11[%add3A_50, %dma_wait3A_55] : memref<10000x64xf32, #tpu.memory_space<vmem_shared>> -> memref<125x64xf32, #tpu.memory_space<vmem_shared>>
        tpu.wait_dma2 semaphore(%run_scoped3A : memref<!tpu.dma_semaphore, #tpu.memory_space<semaphore_mem>>) src(%arg10 : memref<125x64xf32, #tpu.memory_space<vmem>>) dst(%dma_wait3A_56 : memref<125x64xf32, #tpu.memory_space<vmem_shared>>)
        tpu.yield
      }) : () -> ()
    }
    %scan3A_30 = arith.constant 5 : i32
    %barrier3A_31 = arith.constant 0 : index
    tpu.barrier barrier_id(%barrier3A_31)
    %scan3A_32 = arith.constant 0 : i32
    %scan3A_33 = arith.constant 0 : i32
    %scan3A_34 = arith.constant 125 : i32
    %scan3A_35 = arith.addi %scan3A_33, %scan3A_34 : i32
    %scan3A_36 = arith.constant 1 : i32
    scf.for %scan3A_45 = %scan3A_33 to %scan3A_35 step %scan3A_36  : i32 {
      %dma_start3A = arith.constant 0 : i32
      %dma_start3A_46 = tpu.memref_slice %arg7[%scan3A_45, %dma_start3A] : memref<125x80xi32, #tpu.memory_space<vmem>> -> memref<1x80xi32, #tpu.memory_space<vmem>>
      %dma_start3A_47 = tpu.memref_squeeze %dma_start3A_46 : memref<1x80xi32, #tpu.memory_space<vmem>> -> memref<80xi32, #tpu.memory_space<vmem>>
      %dma_start3A_48 = arith.constant 0 : i32
      %dma_start3A_49 = arith.constant 0 : i32
      %dma_start3A_50 = tpu.memref_slice %arg3[%dma_start3A_48, %dma_start3A_49] : memref<10000x64xf32, #tpu.memory_space<hbm>> -> memref<10000x64xf32, #tpu.memory_space<hbm>>
      tpu.enqueue_indirect_dma source(%dma_start3A_50 : memref<10000x64xf32, #tpu.memory_space<hbm>>) target(%arg9 : memref<80x64xf32, #tpu.memory_space<vmem>>) offsets(%dma_start3A_47 : memref<80xi32, #tpu.memory_space<vmem>>) semaphore(%arg12 : memref<!tpu.dma_semaphore, #tpu.memory_space<semaphore_mem>>)
      %dma_wait3A = arith.constant 0 : i32
      %dma_wait3A_51 = tpu.memref_slice %arg7[%scan3A_45, %dma_wait3A] : memref<125x80xi32, #tpu.memory_space<vmem>> -> memref<1x80xi32, #tpu.memory_space<vmem>>
      %dma_wait3A_52 = tpu.memref_squeeze %dma_wait3A_51 : memref<1x80xi32, #tpu.memory_space<vmem>> -> memref<80xi32, #tpu.memory_space<vmem>>
      %dma_wait3A_53 = arith.constant 0 : i32
      %dma_wait3A_54 = arith.constant 0 : i32
      %dma_wait3A_55 = tpu.memref_slice %arg3[%dma_wait3A_53, %dma_wait3A_54] : memref<10000x64xf32, #tpu.memory_space<hbm>> -> memref<10000x64xf32, #tpu.memory_space<hbm>>
      tpu.wait_indirect_dma semaphore(%arg12 : memref<!tpu.dma_semaphore, #tpu.memory_space<semaphore_mem>>) src(%dma_wait3A_55 : memref<10000x64xf32, #tpu.memory_space<hbm>>) dst(%arg9 : memref<80x64xf32, #tpu.memory_space<vmem>>)
      "tpu.region"() ({
        %run_scoped3A = tpu.sem_alloc : memref<!tpu.dma_semaphore, #tpu.memory_space<semaphore_mem>>
        %dma_start3A_56 = arith.constant 0 : i32
        %dma_start3A_57 = tpu.memref_slice %arg8[%scan3A_45, %dma_start3A_56] : memref<125x80xi32, #tpu.memory_space<vmem>> -> memref<1x80xi32, #tpu.memory_space<vmem>>
        %dma_start3A_58 = tpu.memref_squeeze %dma_start3A_57 : memref<1x80xi32, #tpu.memory_space<vmem>> -> memref<80xi32, #tpu.memory_space<vmem>>
        %dma_start3A_59 = arith.constant 0 : i32
        %dma_start3A_60 = arith.constant 0 : i32
        %dma_start3A_61 = tpu.memref_slice %arg11[%dma_start3A_59, %dma_start3A_60] : memref<10000x64xf32, #tpu.memory_space<vmem_shared>> -> memref<10000x64xf32, #tpu.memory_space<vmem_shared>>
        tpu.enqueue_indirect_dma source(%arg9 : memref<80x64xf32, #tpu.memory_space<vmem>>) target(%dma_start3A_61 : memref<10000x64xf32, #tpu.memory_space<vmem_shared>>) offsets(%dma_start3A_58 : memref<80xi32, #tpu.memory_space<vmem>>) semaphore(%run_scoped3A : memref<!tpu.dma_semaphore, #tpu.memory_space<semaphore_mem>>) {add = true}
        %dma_wait3A_62 = arith.constant 0 : i32
        %dma_wait3A_63 = tpu.memref_slice %arg8[%scan3A_45, %dma_wait3A_62] : memref<125x80xi32, #tpu.memory_space<vmem>> -> memref<1x80xi32, #tpu.memory_space<vmem>>
        %dma_wait3A_64 = tpu.memref_squeeze %dma_wait3A_63 : memref<1x80xi32, #tpu.memory_space<vmem>> -> memref<80xi32, #tpu.memory_space<vmem>>
        %dma_wait3A_65 = arith.constant 0 : i32
        %dma_wait3A_66 = arith.constant 0 : i32
        %dma_wait3A_67 = tpu.memref_slice %arg11[%dma_wait3A_65, %dma_wait3A_66] : memref<10000x64xf32, #tpu.memory_space<vmem_shared>> -> memref<10000x64xf32, #tpu.memory_space<vmem_shared>>
        tpu.wait_indirect_dma semaphore(%run_scoped3A : memref<!tpu.dma_semaphore, #tpu.memory_space<semaphore_mem>>) src(%arg9 : memref<80x64xf32, #tpu.memory_space<vmem>>) dst(%dma_wait3A_67 : memref<10000x64xf32, #tpu.memory_space<vmem_shared>>)
        tpu.yield
      }) : () -> ()
    }
    %scan3A_37 = arith.constant 125 : i32
    %barrier3A_38 = arith.constant 0 : index
    tpu.barrier barrier_id(%barrier3A_38)
    %scan3A_39 = arith.constant 0 : i32
    %scan3A_40 = arith.constant 0 : i32
    %scan3A_41 = arith.constant 5 : i32
    %scan3A_42 = arith.addi %scan3A_40, %scan3A_41 : i32
    %scan3A_43 = arith.constant 1 : i32
    scf.for %scan3A_45 = %scan3A_40 to %scan3A_42 step %scan3A_43  : i32 {
      %mul3A_46 = arith.constant 625 : i32
      %mul3A_47 = arith.muli %arg1, %mul3A_46 : i32
      %mul3A_48 = arith.constant 125 : i32
      %mul3A_49 = arith.muli %scan3A_45, %mul3A_48 : i32
      %add3A_50 = arith.addi %mul3A_47, %mul3A_49 : i32
      %run_scoped3A = arith.constant 1 : i32
      "tpu.region"() ({
        %run_scoped3A_51 = tpu.sem_alloc : memref<!tpu.dma_semaphore, #tpu.memory_space<semaphore_mem>>
        %dma_start3A = arith.constant 0 : i32
        %dma_start3A_52 = tpu.memref_slice %arg6[%arg0, %run_scoped3A, %add3A_50, %dma_start3A] : memref<2x2x10000x64xf32, #tpu.memory_space<hbm>> -> memref<1x1x125x64xf32, #tpu.memory_space<hbm>>
        %dma_start3A_53 = tpu.memref_squeeze %dma_start3A_52 : memref<1x1x125x64xf32, #tpu.memory_space<hbm>> -> memref<125x64xf32, #tpu.memory_space<hbm>>
        %dma_start3A_54 = arith.constant 0 : i32
        %dma_start3A_55 = tpu.memref_slice %arg11[%add3A_50, %dma_start3A_54] : memref<10000x64xf32, #tpu.memory_space<vmem_shared>> -> memref<125x64xf32, #tpu.memory_space<vmem_shared>>
        tpu.enqueue_dma source(%dma_start3A_55 : memref<125x64xf32, #tpu.memory_space<vmem_shared>>) target(%dma_start3A_53 : memref<125x64xf32, #tpu.memory_space<hbm>>) target_semaphore(%run_scoped3A_51 : memref<!tpu.dma_semaphore, #tpu.memory_space<semaphore_mem>>)
        %dma_wait3A = arith.constant 0 : i32
        %dma_wait3A_56 = tpu.memref_slice %arg6[%arg0, %run_scoped3A, %add3A_50, %dma_wait3A] : memref<2x2x10000x64xf32, #tpu.memory_space<hbm>> -> memref<1x1x125x64xf32, #tpu.memory_space<hbm>>
        %dma_wait3A_57 = tpu.memref_squeeze %dma_wait3A_56 : memref<1x1x125x64xf32, #tpu.memory_space<hbm>> -> memref<125x64xf32, #tpu.memory_space<hbm>>
        %dma_wait3A_58 = arith.constant 0 : i32
        %dma_wait3A_59 = tpu.memref_slice %arg11[%add3A_50, %dma_wait3A_58] : memref<10000x64xf32, #tpu.memory_space<vmem_shared>> -> memref<125x64xf32, #tpu.memory_space<vmem_shared>>
        tpu.wait_dma2 semaphore(%run_scoped3A_51 : memref<!tpu.dma_semaphore, #tpu.memory_space<semaphore_mem>>) src(%dma_wait3A_59 : memref<125x64xf32, #tpu.memory_space<vmem_shared>>) dst(%dma_wait3A_57 : memref<125x64xf32, #tpu.memory_space<hbm>>)
        tpu.yield
      }) : () -> ()
    }
    %scan3A_44 = arith.constant 5 : i32
    return
  }
}

#map = affine_map<(d0, d1) -> (0, 0)>
#map1 = affine_map<(d0, d1) -> (0, 0, 0)>
#map2 = affine_map<(d0, d1) -> (0, 0, 0, 0)>
module attributes {stable_mosaic.version = 14 : i64} {
  func.func @_scatter_kernel(%arg0: i32, %arg1: i32, %arg2: memref<10000x64xf32, #tpu.memory_space<hbm>>, %arg3: memref<10000x64xf32, #tpu.memory_space<hbm>>, %arg4: memref<32x125x80xi32, #tpu.memory_space<hbm>>, %arg5: memref<32x125x80xi32, #tpu.memory_space<hbm>>, %arg6: memref<2x2x10000x64xf32, #tpu.memory_space<hbm>>, %arg7: memref<125x80xi32, #tpu.memory_space<vmem>>, %arg8: memref<125x80xi32, #tpu.memory_space<vmem>>, %arg9: memref<80x64xf32, #tpu.memory_space<vmem>>, %arg10: memref<125x64xf32, #tpu.memory_space<vmem>>, %arg11: memref<10000x64xf32, #tpu.memory_space<vmem_shared>>, %arg12: memref<!tpu.dma_semaphore, #tpu.memory_space<semaphore_mem>>) attributes {dimension_semantics = [#tpu.dimension_semantics<core_parallel>, #tpu.dimension_semantics<subcore_parallel>], iteration_bounds = array<i64: 2, 16>, scalar_prefetch = 0 : i64, scratch_operands = 6 : i64, tpu.core_type = #tpu.core_type<sc_vector_subcore>, window_params = [{transform_indices = #map}, {transform_indices = #map}, {transform_indices = #map1}, {transform_indices = #map1}, {transform_indices = #map2}]} {
    %mul3A = arith.constant 16 : i32
    %mul3A_0 = arith.muli %arg0, %mul3A : i32
    %add3A = arith.addi %mul3A_0, %arg1 : i32
    %scan3A = arith.constant 0 : i32
    %scan3A_1 = arith.constant 0 : i32
    %scan3A_2 = arith.constant 125 : i32
    %scan3A_3 = arith.addi %scan3A_1, %scan3A_2 : i32
    %scan3A_4 = arith.constant 1 : i32
    scf.for %scan3A_45 = %scan3A_1 to %scan3A_3 step %scan3A_4  : i32 {
      %broadcast_in_dim3A = arith.constant 0.000000e+00 : f32
      %broadcast_in_dim3A_46 = vector.broadcast %broadcast_in_dim3A : f32 to vector<16xf32>
      %swap3A = arith.index_cast %scan3A_45 : i32 to index
      %swap3A_47 = arith.constant 0 : index
      %swap3A_48 = tpu.vector_load %arg10[%swap3A, %swap3A_47] {strides = array<i32>} : memref<125x64xf32, #tpu.memory_space<vmem>>, vector<1x16xf32>,
      %swap3A_49 = vector.shape_cast %swap3A_48 : vector<1x16xf32> to vector<16xf32>
      %swap3A_50 = vector.shape_cast %broadcast_in_dim3A_46 : vector<16xf32> to vector<1x16xf32>
      tpu.vector_store %arg10[%swap3A, %swap3A_47], %swap3A_50 {strides = array<i32>} : memref<125x64xf32, #tpu.memory_space<vmem>>, vector<1x16xf32>,
      %broadcast_in_dim3A_51 = arith.constant 0.000000e+00 : f32
      %broadcast_in_dim3A_52 = vector.broadcast %broadcast_in_dim3A_51 : f32 to vector<16xf32>
      %swap3A_53 = arith.index_cast %scan3A_45 : i32 to index
      %swap3A_54 = arith.constant 16 : index
      %swap3A_55 = tpu.vector_load %arg10[%swap3A_53, %swap3A_54] {strides = array<i32>} : memref<125x64xf32, #tpu.memory_space<vmem>>, vector<1x16xf32>,
      %swap3A_56 = vector.shape_cast %swap3A_55 : vector<1x16xf32> to vector<16xf32>
      %swap3A_57 = vector.shape_cast %broadcast_in_dim3A_52 : vector<16xf32> to vector<1x16xf32>
      tpu.vector_store %arg10[%swap3A_53, %swap3A_54], %swap3A_57 {strides = array<i32>} : memref<125x64xf32, #tpu.memory_space<vmem>>, vector<1x16xf32>,
      %broadcast_in_dim3A_58 = arith.constant 0.000000e+00 : f32
      %broadcast_in_dim3A_59 = vector.broadcast %broadcast_in_dim3A_58 : f32 to vector<16xf32>
      %swap3A_60 = arith.index_cast %scan3A_45 : i32 to index
      %swap3A_61 = arith.constant 32 : index
      %swap3A_62 = tpu.vector_load %arg10[%swap3A_60, %swap3A_61] {strides = array<i32>} : memref<125x64xf32, #tpu.memory_space<vmem>>, vector<1x16xf32>,
      %swap3A_63 = vector.shape_cast %swap3A_62 : vector<1x16xf32> to vector<16xf32>
      %swap3A_64 = vector.shape_cast %broadcast_in_dim3A_59 : vector<16xf32> to vector<1x16xf32>
      tpu.vector_store %arg10[%swap3A_60, %swap3A_61], %swap3A_64 {strides = array<i32>} : memref<125x64xf32, #tpu.memory_space<vmem>>, vector<1x16xf32>,
      %broadcast_in_dim3A_65 = arith.constant 0.000000e+00 : f32
      %broadcast_in_dim3A_66 = vector.broadcast %broadcast_in_dim3A_65 : f32 to vector<16xf32>
      %swap3A_67 = arith.index_cast %scan3A_45 : i32 to index
      %swap3A_68 = arith.constant 48 : index
      %swap3A_69 = tpu.vector_load %arg10[%swap3A_67, %swap3A_68] {strides = array<i32>} : memref<125x64xf32, #tpu.memory_space<vmem>>, vector<1x16xf32>,
      %swap3A_70 = vector.shape_cast %swap3A_69 : vector<1x16xf32> to vector<16xf32>
      %swap3A_71 = vector.shape_cast %broadcast_in_dim3A_66 : vector<16xf32> to vector<1x16xf32>
      tpu.vector_store %arg10[%swap3A_67, %swap3A_68], %swap3A_71 {strides = array<i32>} : memref<125x64xf32, #tpu.memory_space<vmem>>, vector<1x16xf32>,
    }
    %scan3A_5 = arith.constant 125 : i32
    "tpu.region"() ({
      %run_scoped3A = tpu.sem_alloc : memref<!tpu.dma_semaphore, #tpu.memory_space<semaphore_mem>>
      %dma_start3A = arith.constant 0 : i32
      %dma_start3A_45 = arith.constant 0 : i32
      %dma_start3A_46 = tpu.memref_slice %arg4[%add3A, %dma_start3A, %dma_start3A_45] : memref<32x125x80xi32, #tpu.memory_space<hbm>> -> memref<1x125x80xi32, #tpu.memory_space<hbm>>
      %dma_start3A_47 = tpu.memref_squeeze %dma_start3A_46 : memref<1x125x80xi32, #tpu.memory_space<hbm>> -> memref<125x80xi32, #tpu.memory_space<hbm>>
      %dma_start3A_48 = arith.constant 0 : i32
      %dma_start3A_49 = arith.constant 0 : i32
      %dma_start3A_50 = tpu.memref_slice %arg4[%add3A, %dma_start3A_48, %dma_start3A_49] : memref<32x125x80xi32, #tpu.memory_space<hbm>> -> memref<1x125x80xi32, #tpu.memory_space<hbm>>
      %dma_start3A_51 = tpu.memref_squeeze %dma_start3A_50 : memref<1x125x80xi32, #tpu.memory_space<hbm>> -> memref<125x80xi32, #tpu.memory_space<hbm>>
      tpu.enqueue_dma source(%dma_start3A_51 : memref<125x80xi32, #tpu.memory_space<hbm>>) target(%arg7 : memref<125x80xi32, #tpu.memory_space<vmem>>) target_semaphore(%run_scoped3A : memref<!tpu.dma_semaphore, #tpu.memory_space<semaphore_mem>>)
      %dma_wait3A = arith.constant 0 : i32
      %dma_wait3A_52 = arith.constant 0 : i32
      %dma_wait3A_53 = tpu.memref_slice %arg4[%add3A, %dma_wait3A, %dma_wait3A_52] : memref<32x125x80xi32, #tpu.memory_space<hbm>> -> memref<1x125x80xi32, #tpu.memory_space<hbm>>
      %dma_wait3A_54 = tpu.memref_squeeze %dma_wait3A_53 : memref<1x125x80xi32, #tpu.memory_space<hbm>> -> memref<125x80xi32, #tpu.memory_space<hbm>>
      %dma_wait3A_55 = arith.constant 0 : i32
      %dma_wait3A_56 = arith.constant 0 : i32
      %dma_wait3A_57 = tpu.memref_slice %arg4[%add3A, %dma_wait3A_55, %dma_wait3A_56] : memref<32x125x80xi32, #tpu.memory_space<hbm>> -> memref<1x125x80xi32, #tpu.memory_space<hbm>>
      %dma_wait3A_58 = tpu.memref_squeeze %dma_wait3A_57 : memref<1x125x80xi32, #tpu.memory_space<hbm>> -> memref<125x80xi32, #tpu.memory_space<hbm>>
      tpu.wait_dma2 semaphore(%run_scoped3A : memref<!tpu.dma_semaphore, #tpu.memory_space<semaphore_mem>>) src(%dma_wait3A_58 : memref<125x80xi32, #tpu.memory_space<hbm>>) dst(%arg7 : memref<125x80xi32, #tpu.memory_space<vmem>>)
      tpu.yield
    }) : () -> ()
    "tpu.region"() ({
      %run_scoped3A = tpu.sem_alloc : memref<!tpu.dma_semaphore, #tpu.memory_space<semaphore_mem>>
      %dma_start3A = arith.constant 0 : i32
      %dma_start3A_45 = arith.constant 0 : i32
      %dma_start3A_46 = tpu.memref_slice %arg5[%add3A, %dma_start3A, %dma_start3A_45] : memref<32x125x80xi32, #tpu.memory_space<hbm>> -> memref<1x125x80xi32, #tpu.memory_space<hbm>>
      %dma_start3A_47 = tpu.memref_squeeze %dma_start3A_46 : memref<1x125x80xi32, #tpu.memory_space<hbm>> -> memref<125x80xi32, #tpu.memory_space<hbm>>
      %dma_start3A_48 = arith.constant 0 : i32
      %dma_start3A_49 = arith.constant 0 : i32
      %dma_start3A_50 = tpu.memref_slice %arg5[%add3A, %dma_start3A_48, %dma_start3A_49] : memref<32x125x80xi32, #tpu.memory_space<hbm>> -> memref<1x125x80xi32, #tpu.memory_space<hbm>>
      %dma_start3A_51 = tpu.memref_squeeze %dma_start3A_50 : memref<1x125x80xi32, #tpu.memory_space<hbm>> -> memref<125x80xi32, #tpu.memory_space<hbm>>
      tpu.enqueue_dma source(%dma_start3A_51 : memref<125x80xi32, #tpu.memory_space<hbm>>) target(%arg8 : memref<125x80xi32, #tpu.memory_space<vmem>>) target_semaphore(%run_scoped3A : memref<!tpu.dma_semaphore, #tpu.memory_space<semaphore_mem>>)
      %dma_wait3A = arith.constant 0 : i32
      %dma_wait3A_52 = arith.constant 0 : i32
      %dma_wait3A_53 = tpu.memref_slice %arg5[%add3A, %dma_wait3A, %dma_wait3A_52] : memref<32x125x80xi32, #tpu.memory_space<hbm>> -> memref<1x125x80xi32, #tpu.memory_space<hbm>>
      %dma_wait3A_54 = tpu.memref_squeeze %dma_wait3A_53 : memref<1x125x80xi32, #tpu.memory_space<hbm>> -> memref<125x80xi32, #tpu.memory_space<hbm>>
      %dma_wait3A_55 = arith.constant 0 : i32
      %dma_wait3A_56 = arith.constant 0 : i32
      %dma_wait3A_57 = tpu.memref_slice %arg5[%add3A, %dma_wait3A_55, %dma_wait3A_56] : memref<32x125x80xi32, #tpu.memory_space<hbm>> -> memref<1x125x80xi32, #tpu.memory_space<hbm>>
      %dma_wait3A_58 = tpu.memref_squeeze %dma_wait3A_57 : memref<1x125x80xi32, #tpu.memory_space<hbm>> -> memref<125x80xi32, #tpu.memory_space<hbm>>
      tpu.wait_dma2 semaphore(%run_scoped3A : memref<!tpu.dma_semaphore, #tpu.memory_space<semaphore_mem>>) src(%dma_wait3A_58 : memref<125x80xi32, #tpu.memory_space<hbm>>) dst(%arg8 : memref<125x80xi32, #tpu.memory_space<vmem>>)
      tpu.yield
    }) : () -> ()
    %scan3A_6 = arith.constant 0 : i32
    %scan3A_7 = arith.constant 0 : i32
    %scan3A_8 = arith.constant 5 : i32
    %scan3A_9 = arith.addi %scan3A_7, %scan3A_8 : i32
    %scan3A_10 = arith.constant 1 : i32
    scf.for %scan3A_45 = %scan3A_7 to %scan3A_9 step %scan3A_10  : i32 {
      %mul3A_46 = arith.constant 625 : i32
      %mul3A_47 = arith.muli %arg1, %mul3A_46 : i32
      %mul3A_48 = arith.constant 125 : i32
      %mul3A_49 = arith.muli %scan3A_45, %mul3A_48 : i32
      %add3A_50 = arith.addi %mul3A_47, %mul3A_49 : i32
      "tpu.region"() ({
        %run_scoped3A = tpu.sem_alloc : memref<!tpu.dma_semaphore, #tpu.memory_space<semaphore_mem>>
        %dma_start3A = arith.constant 0 : i32
        %dma_start3A_51 = tpu.memref_slice %arg11[%add3A_50, %dma_start3A] : memref<10000x64xf32, #tpu.memory_space<vmem_shared>> -> memref<125x64xf32, #tpu.memory_space<vmem_shared>>
        %dma_start3A_52 = arith.constant 0 : i32
        %dma_start3A_53 = tpu.memref_slice %arg11[%add3A_50, %dma_start3A_52] : memref<10000x64xf32, #tpu.memory_space<vmem_shared>> -> memref<125x64xf32, #tpu.memory_space<vmem_shared>>
        tpu.enqueue_dma source(%arg10 : memref<125x64xf32, #tpu.memory_space<vmem>>) target(%dma_start3A_53 : memref<125x64xf32, #tpu.memory_space<vmem_shared>>) target_semaphore(%run_scoped3A : memref<!tpu.dma_semaphore, #tpu.memory_space<semaphore_mem>>)
        %dma_wait3A = arith.constant 0 : i32
        %dma_wait3A_54 = tpu.memref_slice %arg11[%add3A_50, %dma_wait3A] : memref<10000x64xf32, #tpu.memory_space<vmem_shared>> -> memref<125x64xf32, #tpu.memory_space<vmem_shared>>
        %dma_wait3A_55 = arith.constant 0 : i32
        %dma_wait3A_56 = tpu.memref_slice %arg11[%add3A_50, %dma_wait3A_55] : memref<10000x64xf32, #tpu.memory_space<vmem_shared>> -> memref<125x64xf32, #tpu.memory_space<vmem_shared>>
        tpu.wait_dma2 semaphore(%run_scoped3A : memref<!tpu.dma_semaphore, #tpu.memory_space<semaphore_mem>>) src(%arg10 : memref<125x64xf32, #tpu.memory_space<vmem>>) dst(%dma_wait3A_56 : memref<125x64xf32, #tpu.memory_space<vmem_shared>>)
        tpu.yield
      }) : () -> ()
    }
    %scan3A_11 = arith.constant 5 : i32
    %barrier3A = arith.constant 0 : index
    tpu.barrier barrier_id(%barrier3A)
    %scan3A_12 = arith.constant 0 : i32
    %scan3A_13 = arith.constant 0 : i32
    %scan3A_14 = arith.constant 125 : i32
    %scan3A_15 = arith.addi %scan3A_13, %scan3A_14 : i32
    %scan3A_16 = arith.constant 1 : i32
    scf.for %scan3A_45 = %scan3A_13 to %scan3A_15 step %scan3A_16  : i32 {
      %dma_start3A = arith.constant 0 : i32
      %dma_start3A_46 = tpu.memref_slice %arg7[%scan3A_45, %dma_start3A] : memref<125x80xi32, #tpu.memory_space<vmem>> -> memref<1x80xi32, #tpu.memory_space<vmem>>
      %dma_start3A_47 = tpu.memref_squeeze %dma_start3A_46 : memref<1x80xi32, #tpu.memory_space<vmem>> -> memref<80xi32, #tpu.memory_space<vmem>>
      %dma_start3A_48 = arith.constant 0 : i32
      %dma_start3A_49 = arith.constant 0 : i32
      %dma_start3A_50 = tpu.memref_slice %arg2[%dma_start3A_48, %dma_start3A_49] : memref<10000x64xf32, #tpu.memory_space<hbm>> -> memref<10000x64xf32, #tpu.memory_space<hbm>>
      tpu.enqueue_indirect_dma source(%dma_start3A_50 : memref<10000x64xf32, #tpu.memory_space<hbm>>) target(%arg9 : memref<80x64xf32, #tpu.memory_space<vmem>>) offsets(%dma_start3A_47 : memref<80xi32, #tpu.memory_space<vmem>>) semaphore(%arg12 : memref<!tpu.dma_semaphore, #tpu.memory_space<semaphore_mem>>)
      %dma_wait3A = arith.constant 0 : i32
      %dma_wait3A_51 = tpu.memref_slice %arg7[%scan3A_45, %dma_wait3A] : memref<125x80xi32, #tpu.memory_space<vmem>> -> memref<1x80xi32, #tpu.memory_space<vmem>>
      %dma_wait3A_52 = tpu.memref_squeeze %dma_wait3A_51 : memref<1x80xi32, #tpu.memory_space<vmem>> -> memref<80xi32, #tpu.memory_space<vmem>>
      %dma_wait3A_53 = arith.constant 0 : i32
      %dma_wait3A_54 = arith.constant 0 : i32
      %dma_wait3A_55 = tpu.memref_slice %arg2[%dma_wait3A_53, %dma_wait3A_54] : memref<10000x64xf32, #tpu.memory_space<hbm>> -> memref<10000x64xf32, #tpu.memory_space<hbm>>
      tpu.wait_indirect_dma semaphore(%arg12 : memref<!tpu.dma_semaphore, #tpu.memory_space<semaphore_mem>>) src(%dma_wait3A_55 : memref<10000x64xf32, #tpu.memory_space<hbm>>) dst(%arg9 : memref<80x64xf32, #tpu.memory_space<vmem>>)
      "tpu.region"() ({
        %run_scoped3A = tpu.sem_alloc : memref<!tpu.dma_semaphore, #tpu.memory_space<semaphore_mem>>
        %dma_start3A_56 = arith.constant 0 : i32
        %dma_start3A_57 = tpu.memref_slice %arg8[%scan3A_45, %dma_start3A_56] : memref<125x80xi32, #tpu.memory_space<vmem>> -> memref<1x80xi32, #tpu.memory_space<vmem>>
        %dma_start3A_58 = tpu.memref_squeeze %dma_start3A_57 : memref<1x80xi32, #tpu.memory_space<vmem>> -> memref<80xi32, #tpu.memory_space<vmem>>
        %dma_start3A_59 = arith.constant 0 : i32
        %dma_start3A_60 = arith.constant 0 : i32
        %dma_start3A_61 = tpu.memref_slice %arg11[%dma_start3A_59, %dma_start3A_60] : memref<10000x64xf32, #tpu.memory_space<vmem_shared>> -> memref<10000x64xf32, #tpu.memory_space<vmem_shared>>
        tpu.enqueue_indirect_dma source(%arg9 : memref<80x64xf32, #tpu.memory_space<vmem>>) target(%dma_start3A_61 : memref<10000x64xf32, #tpu.memory_space<vmem_shared>>) offsets(%dma_start3A_58 : memref<80xi32, #tpu.memory_space<vmem>>) semaphore(%run_scoped3A : memref<!tpu.dma_semaphore, #tpu.memory_space<semaphore_mem>>) {add = true}
        %dma_wait3A_62 = arith.constant 0 : i32
        %dma_wait3A_63 = tpu.memref_slice %arg8[%scan3A_45, %dma_wait3A_62] : memref<125x80xi32, #tpu.memory_space<vmem>> -> memref<1x80xi32, #tpu.memory_space<vmem>>
        %dma_wait3A_64 = tpu.memref_squeeze %dma_wait3A_63 : memref<1x80xi32, #tpu.memory_space<vmem>> -> memref<80xi32, #tpu.memory_space<vmem>>
        %dma_wait3A_65 = arith.constant 0 : i32
        %dma_wait3A_66 = arith.constant 0 : i32
        %dma_wait3A_67 = tpu.memref_slice %arg11[%dma_wait3A_65, %dma_wait3A_66] : memref<10000x64xf32, #tpu.memory_space<vmem_shared>> -> memref<10000x64xf32, #tpu.memory_space<vmem_shared>>
        tpu.wait_indirect_dma semaphore(%run_scoped3A : memref<!tpu.dma_semaphore, #tpu.memory_space<semaphore_mem>>) src(%arg9 : memref<80x64xf32, #tpu.memory_space<vmem>>) dst(%dma_wait3A_67 : memref<10000x64xf32, #tpu.memory_space<vmem_shared>>)
        tpu.yield
      }) : () -> ()
    }
    %scan3A_17 = arith.constant 125 : i32
    %barrier3A_18 = arith.constant 0 : index
    tpu.barrier barrier_id(%barrier3A_18)
    %scan3A_19 = arith.constant 0 : i32
    %scan3A_20 = arith.constant 0 : i32
    %scan3A_21 = arith.constant 5 : i32
    %scan3A_22 = arith.addi %scan3A_20, %scan3A_21 : i32
    %scan3A_23 = arith.constant 1 : i32
    scf.for %scan3A_45 = %scan3A_20 to %scan3A_22 step %scan3A_23  : i32 {
      %mul3A_46 = arith.constant 625 : i32
      %mul3A_47 = arith.muli %arg1, %mul3A_46 : i32
      %mul3A_48 = arith.constant 125 : i32
      %mul3A_49 = arith.muli %scan3A_45, %mul3A_48 : i32
      %add3A_50 = arith.addi %mul3A_47, %mul3A_49 : i32
      %run_scoped3A = arith.constant 0 : i32
      "tpu.region"() ({
        %run_scoped3A_51 = tpu.sem_alloc : memref<!tpu.dma_semaphore, #tpu.memory_space<semaphore_mem>>
        %dma_start3A = arith.constant 0 : i32
        %dma_start3A_52 = tpu.memref_slice %arg6[%arg0, %run_scoped3A, %add3A_50, %dma_start3A] : memref<2x2x10000x64xf32, #tpu.memory_space<hbm>> -> memref<1x1x125x64xf32, #tpu.memory_space<hbm>>
        %dma_start3A_53 = tpu.memref_squeeze %dma_start3A_52 : memref<1x1x125x64xf32, #tpu.memory_space<hbm>> -> memref<125x64xf32, #tpu.memory_space<hbm>>
        %dma_start3A_54 = arith.constant 0 : i32
        %dma_start3A_55 = tpu.memref_slice %arg11[%add3A_50, %dma_start3A_54] : memref<10000x64xf32, #tpu.memory_space<vmem_shared>> -> memref<125x64xf32, #tpu.memory_space<vmem_shared>>
        tpu.enqueue_dma source(%dma_start3A_55 : memref<125x64xf32, #tpu.memory_space<vmem_shared>>) target(%dma_start3A_53 : memref<125x64xf32, #tpu.memory_space<hbm>>) target_semaphore(%run_scoped3A_51 : memref<!tpu.dma_semaphore, #tpu.memory_space<semaphore_mem>>)
        %dma_wait3A = arith.constant 0 : i32
        %dma_wait3A_56 = tpu.memref_slice %arg6[%arg0, %run_scoped3A, %add3A_50, %dma_wait3A] : memref<2x2x10000x64xf32, #tpu.memory_space<hbm>> -> memref<1x1x125x64xf32, #tpu.memory_space<hbm>>
        %dma_wait3A_57 = tpu.memref_squeeze %dma_wait3A_56 : memref<1x1x125x64xf32, #tpu.memory_space<hbm>> -> memref<125x64xf32, #tpu.memory_space<hbm>>
        %dma_wait3A_58 = arith.constant 0 : i32
        %dma_wait3A_59 = tpu.memref_slice %arg11[%add3A_50, %dma_wait3A_58] : memref<10000x64xf32, #tpu.memory_space<vmem_shared>> -> memref<125x64xf32, #tpu.memory_space<vmem_shared>>
        tpu.wait_dma2 semaphore(%run_scoped3A_51 : memref<!tpu.dma_semaphore, #tpu.memory_space<semaphore_mem>>) src(%dma_wait3A_59 : memref<125x64xf32, #tpu.memory_space<vmem_shared>>) dst(%dma_wait3A_57 : memref<125x64xf32, #tpu.memory_space<hbm>>)
        tpu.yield
      }) : () -> ()
    }
    %scan3A_24 = arith.constant 5 : i32
    %scan3A_25 = arith.constant 0 : i32
    %scan3A_26 = arith.constant 0 : i32
    %scan3A_27 = arith.constant 5 : i32
    %scan3A_28 = arith.addi %scan3A_26, %scan3A_27 : i32
    %scan3A_29 = arith.constant 1 : i32
    scf.for %scan3A_45 = %scan3A_26 to %scan3A_28 step %scan3A_29  : i32 {
      %mul3A_46 = arith.constant 625 : i32
      %mul3A_47 = arith.muli %arg1, %mul3A_46 : i32
      %mul3A_48 = arith.constant 125 : i32
      %mul3A_49 = arith.muli %scan3A_45, %mul3A_48 : i32
      %add3A_50 = arith.addi %mul3A_47, %mul3A_49 : i32
      "tpu.region"() ({
        %run_scoped3A = tpu.sem_alloc : memref<!tpu.dma_semaphore, #tpu.memory_space<semaphore_mem>>
        %dma_start3A = arith.constant 0 : i32
        %dma_start3A_51 = tpu.memref_slice %arg11[%add3A_50, %dma_start3A] : memref<10000x64xf32, #tpu.memory_space<vmem_shared>> -> memref<125x64xf32, #tpu.memory_space<vmem_shared>>
        %dma_start3A_52 = arith.constant 0 : i32
        %dma_start3A_53 = tpu.memref_slice %arg11[%add3A_50, %dma_start3A_52] : memref<10000x64xf32, #tpu.memory_space<vmem_shared>> -> memref<125x64xf32, #tpu.memory_space<vmem_shared>>
        tpu.enqueue_dma source(%arg10 : memref<125x64xf32, #tpu.memory_space<vmem>>) target(%dma_start3A_53 : memref<125x64xf32, #tpu.memory_space<vmem_shared>>) target_semaphore(%run_scoped3A : memref<!tpu.dma_semaphore, #tpu.memory_space<semaphore_mem>>)
        %dma_wait3A = arith.constant 0 : i32
        %dma_wait3A_54 = tpu.memref_slice %arg11[%add3A_50, %dma_wait3A] : memref<10000x64xf32, #tpu.memory_space<vmem_shared>> -> memref<125x64xf32, #tpu.memory_space<vmem_shared>>
        %dma_wait3A_55 = arith.constant 0 : i32
        %dma_wait3A_56 = tpu.memref_slice %arg11[%add3A_50, %dma_wait3A_55] : memref<10000x64xf32, #tpu.memory_space<vmem_shared>> -> memref<125x64xf32, #tpu.memory_space<vmem_shared>>
        tpu.wait_dma2 semaphore(%run_scoped3A : memref<!tpu.dma_semaphore, #tpu.memory_space<semaphore_mem>>) src(%arg10 : memref<125x64xf32, #tpu.memory_space<vmem>>) dst(%dma_wait3A_56 : memref<125x64xf32, #tpu.memory_space<vmem_shared>>)
        tpu.yield
      }) : () -> ()
    }
    %scan3A_30 = arith.constant 5 : i32
    %barrier3A_31 = arith.constant 0 : index
    tpu.barrier barrier_id(%barrier3A_31)
    %scan3A_32 = arith.constant 0 : i32
    %scan3A_33 = arith.constant 0 : i32
    %scan3A_34 = arith.constant 125 : i32
    %scan3A_35 = arith.addi %scan3A_33, %scan3A_34 : i32
    %scan3A_36 = arith.constant 1 : i32
    scf.for %scan3A_45 = %scan3A_33 to %scan3A_35 step %scan3A_36  : i32 {
      %dma_start3A = arith.constant 0 : i32
      %dma_start3A_46 = tpu.memref_slice %arg7[%scan3A_45, %dma_start3A] : memref<125x80xi32, #tpu.memory_space<vmem>> -> memref<1x80xi32, #tpu.memory_space<vmem>>
      %dma_start3A_47 = tpu.memref_squeeze %dma_start3A_46 : memref<1x80xi32, #tpu.memory_space<vmem>> -> memref<80xi32, #tpu.memory_space<vmem>>
      %dma_start3A_48 = arith.constant 0 : i32
      %dma_start3A_49 = arith.constant 0 : i32
      %dma_start3A_50 = tpu.memref_slice %arg3[%dma_start3A_48, %dma_start3A_49] : memref<10000x64xf32, #tpu.memory_space<hbm>> -> memref<10000x64xf32, #tpu.memory_space<hbm>>
      tpu.enqueue_indirect_dma source(%dma_start3A_50 : memref<10000x64xf32, #tpu.memory_space<hbm>>) target(%arg9 : memref<80x64xf32, #tpu.memory_space<vmem>>) offsets(%dma_start3A_47 : memref<80xi32, #tpu.memory_space<vmem>>) semaphore(%arg12 : memref<!tpu.dma_semaphore, #tpu.memory_space<semaphore_mem>>)
      %dma_wait3A = arith.constant 0 : i32
      %dma_wait3A_51 = tpu.memref_slice %arg7[%scan3A_45, %dma_wait3A] : memref<125x80xi32, #tpu.memory_space<vmem>> -> memref<1x80xi32, #tpu.memory_space<vmem>>
      %dma_wait3A_52 = tpu.memref_squeeze %dma_wait3A_51 : memref<1x80xi32, #tpu.memory_space<vmem>> -> memref<80xi32, #tpu.memory_space<vmem>>
      %dma_wait3A_53 = arith.constant 0 : i32
      %dma_wait3A_54 = arith.constant 0 : i32
      %dma_wait3A_55 = tpu.memref_slice %arg3[%dma_wait3A_53, %dma_wait3A_54] : memref<10000x64xf32, #tpu.memory_space<hbm>> -> memref<10000x64xf32, #tpu.memory_space<hbm>>
      tpu.wait_indirect_dma semaphore(%arg12 : memref<!tpu.dma_semaphore, #tpu.memory_space<semaphore_mem>>) src(%dma_wait3A_55 : memref<10000x64xf32, #tpu.memory_space<hbm>>) dst(%arg9 : memref<80x64xf32, #tpu.memory_space<vmem>>)
      "tpu.region"() ({
        %run_scoped3A = tpu.sem_alloc : memref<!tpu.dma_semaphore, #tpu.memory_space<semaphore_mem>>
        %dma_start3A_56 = arith.constant 0 : i32
        %dma_start3A_57 = tpu.memref_slice %arg8[%scan3A_45, %dma_start3A_56] : memref<125x80xi32, #tpu.memory_space<vmem>> -> memref<1x80xi32, #tpu.memory_space<vmem>>
        %dma_start3A_58 = tpu.memref_squeeze %dma_start3A_57 : memref<1x80xi32, #tpu.memory_space<vmem>> -> memref<80xi32, #tpu.memory_space<vmem>>
        %dma_start3A_59 = arith.constant 0 : i32
        %dma_start3A_60 = arith.constant 0 : i32
        %dma_start3A_61 = tpu.memref_slice %arg11[%dma_start3A_59, %dma_start3A_60] : memref<10000x64xf32, #tpu.memory_space<vmem_shared>> -> memref<10000x64xf32, #tpu.memory_space<vmem_shared>>
        tpu.enqueue_indirect_dma source(%arg9 : memref<80x64xf32, #tpu.memory_space<vmem>>) target(%dma_start3A_61 : memref<10000x64xf32, #tpu.memory_space<vmem_shared>>) offsets(%dma_start3A_58 : memref<80xi32, #tpu.memory_space<vmem>>) semaphore(%run_scoped3A : memref<!tpu.dma_semaphore, #tpu.memory_space<semaphore_mem>>) {add = true}
        %dma_wait3A_62 = arith.constant 0 : i32
        %dma_wait3A_63 = tpu.memref_slice %arg8[%scan3A_45, %dma_wait3A_62] : memref<125x80xi32, #tpu.memory_space<vmem>> -> memref<1x80xi32, #tpu.memory_space<vmem>>
        %dma_wait3A_64 = tpu.memref_squeeze %dma_wait3A_63 : memref<1x80xi32, #tpu.memory_space<vmem>> -> memref<80xi32, #tpu.memory_space<vmem>>
        %dma_wait3A_65 = arith.constant 0 : i32
        %dma_wait3A_66 = arith.constant 0 : i32
        %dma_wait3A_67 = tpu.memref_slice %arg11[%dma_wait3A_65, %dma_wait3A_66] : memref<10000x64xf32, #tpu.memory_space<vmem_shared>> -> memref<10000x64xf32, #tpu.memory_space<vmem_shared>>
        tpu.wait_indirect_dma semaphore(%run_scoped3A : memref<!tpu.dma_semaphore, #tpu.memory_space<semaphore_mem>>) src(%arg9 : memref<80x64xf32, #tpu.memory_space<vmem>>) dst(%dma_wait3A_67 : memref<10000x64xf32, #tpu.memory_space<vmem_shared>>)
        tpu.yield
      }) : () -> ()
    }
    %scan3A_37 = arith.constant 125 : i32
    %barrier3A_38 = arith.constant 0 : index
    tpu.barrier barrier_id(%barrier3A_38)
    %scan3A_39 = arith.constant 0 : i32
    %scan3A_40 = arith.constant 0 : i32
    %scan3A_41 = arith.constant 5 : i32
    %scan3A_42 = arith.addi %scan3A_40, %scan3A_41 : i32
    %scan3A_43 = arith.constant 1 : i32
    scf.for %scan3A_45 = %scan3A_40 to %scan3A_42 step %scan3A_43  : i32 {
      %mul3A_46 = arith.constant 625 : i32
      %mul3A_47 = arith.muli %arg1, %mul3A_46 : i32
      %mul3A_48 = arith.constant 125 : i32
      %mul3A_49 = arith.muli %scan3A_45, %mul3A_48 : i32
      %add3A_50 = arith.addi %mul3A_47, %mul3A_49 : i32
      %run_scoped3A = arith.constant 1 : i32
      "tpu.region"() ({
        %run_scoped3A_51 = tpu.sem_alloc : memref<!tpu.dma_semaphore, #tpu.memory_space<semaphore_mem>>
        %dma_start3A = arith.constant 0 : i32
        %dma_start3A_52 = tpu.memref_slice %arg6[%arg0, %run_scoped3A, %add3A_50, %dma_start3A] : memref<2x2x10000x64xf32, #tpu.memory_space<hbm>> -> memref<1x1x125x64xf32, #tpu.memory_space<hbm>>
        %dma_start3A_53 = tpu.memref_squeeze %dma_start3A_52 : memref<1x1x125x64xf32, #tpu.memory_space<hbm>> -> memref<125x64xf32, #tpu.memory_space<hbm>>
        %dma_start3A_54 = arith.constant 0 : i32
        %dma_start3A_55 = tpu.memref_slice %arg11[%add3A_50, %dma_start3A_54] : memref<10000x64xf32, #tpu.memory_space<vmem_shared>> -> memref<125x64xf32, #tpu.memory_space<vmem_shared>>
        tpu.enqueue_dma source(%dma_start3A_55 : memref<125x64xf32, #tpu.memory_space<vmem_shared>>) target(%dma_start3A_53 : memref<125x64xf32, #tpu.memory_space<hbm>>) target_semaphore(%run_scoped3A_51 : memref<!tpu.dma_semaphore, #tpu.memory_space<semaphore_mem>>)
        %dma_wait3A = arith.constant 0 : i32
        %dma_wait3A_56 = tpu.memref_slice %arg6[%arg0, %run_scoped3A, %add3A_50, %dma_wait3A] : memref<2x2x10000x64xf32, #tpu.memory_space<hbm>> -> memref<1x1x125x64xf32, #tpu.memory_space<hbm>>
        %dma_wait3A_57 = tpu.memref_squeeze %dma_wait3A_56 : memref<1x1x125x64xf32, #tpu.memory_space<hbm>> -> memref<125x64xf32, #tpu.memory_space<hbm>>
        %dma_wait3A_58 = arith.constant 0 : i32
        %dma_wait3A_59 = tpu.memref_slice %arg11[%add3A_50, %dma_wait3A_58] : memref<10000x64xf32, #tpu.memory_space<vmem_shared>> -> memref<125x64xf32, #tpu.memory_space<vmem_shared>>
        tpu.wait_dma2 semaphore(%run_scoped3A_51 : memref<!tpu.dma_semaphore, #tpu.memory_space<semaphore_mem>>) src(%dma_wait3A_59 : memref<125x64xf32, #tpu.memory_space<vmem_shared>>) dst(%dma_wait3A_57 : memref<125x64xf32, #tpu.memory_space<hbm>>)
        tpu.yield
      }) : () -> ()
    }
    %scan3A_44 = arith.constant 5 : i32
    return
  }
}

module attributes {stable_mosaic.version = 14 : i64} {
  func.func @body(%arg0: i32, %arg1: memref<1000x2xf32, #tpu.memory_space<vmem>>, %arg2: memref<1000x128xf32, #tpu.memory_space<vmem>>, %arg3: memref<128x128xf32, #tpu.memory_space<vmem>>, %arg4: memref<128x128xf32, #tpu.memory_space<vmem>>, %arg5: memref<1x128xf32, #tpu.memory_space<vmem>>, %arg6: memref<1000x1xf32, #tpu.memory_space<vmem>>, %arg7: memref<1000x64xf32, #tpu.memory_space<vmem>>, %arg8: memref<1000x64xf32, #tpu.memory_space<vmem>>, %arg9: memref<1000x128xf32, #tpu.memory_space<vmem>>) attributes {dimension_semantics = [#tpu.dimension_semantics<arbitrary>], iteration_bounds = array<i64: 10>, scalar_prefetch = 0 : i64, scratch_operands = 0 : i64, tpu.core_type = #tpu.core_type<tc>, window_params = [{transform_indices = @transform_0, window_bounds = array<i64: 1000, 2>}, {transform_indices = @transform_1, window_bounds = array<i64: 1000, 128>}, {pipeline_mode = #tpu.pipeline_mode<synchronous>, transform_indices = @transform_2, window_bounds = array<i64: 128, 128>}, {pipeline_mode = #tpu.pipeline_mode<synchronous>, transform_indices = @transform_3, window_bounds = array<i64: 128, 128>}, {pipeline_mode = #tpu.pipeline_mode<synchronous>, transform_indices = @transform_4, window_bounds = array<i64: 1, 128>}, {transform_indices = @transform_5, window_bounds = array<i64: 1000, 1>}, {transform_indices = @transform_6, window_bounds = array<i64: 1000, 64>}, {transform_indices = @transform_7, window_bounds = array<i64: 1000, 64>}, {transform_indices = @transform_8, window_bounds = array<i64: 1000, 128>}]} {
    %get3A = arith.constant 0 : index
    %get3A_0 = arith.constant 0 : index
    %get3A_1 = vector.load %arg1[%get3A, %get3A_0] : memref<1000x2xf32, #tpu.memory_space<vmem>>, vector<1000x1xf32>
    %get3A_2 = arith.constant 0 : index
    %get3A_3 = arith.constant 1 : index
    %get3A_4 = vector.load %arg1[%get3A_2, %get3A_3] : memref<1000x2xf32, #tpu.memory_space<vmem>>, vector<1000x1xf32>
    %add3A = arith.addf %get3A_1, %get3A_4 : vector<1000x1xf32>
    %add3A_5 = arith.constant 1.000000e+00 : f32
    %add3A_6 = vector.broadcast %add3A_5 : f32 to vector<1000x1xf32>
    %add3A_7 = arith.addf %add3A, %add3A_6 : vector<1000x1xf32>
    %rsqrt3A = math.rsqrt %add3A_7 : vector<1000x1xf32>
    %swap3A = arith.constant 0 : index
    %swap3A_8 = arith.constant 0 : index
    %swap3A_9 = vector.load %arg6[%swap3A, %swap3A_8] : memref<1000x1xf32, #tpu.memory_space<vmem>>, vector<1000x1xf32>
    tpu.vector_store %arg6[%swap3A, %swap3A_8], %rsqrt3A {strides = array<i32>} : memref<1000x1xf32, #tpu.memory_space<vmem>>, vector<1000x1xf32>,
    %get3A_10 = arith.constant 0 : index
    %get3A_11 = arith.constant 0 : index
    %get3A_12 = vector.load %arg2[%get3A_10, %get3A_11] : memref<1000x128xf32, #tpu.memory_space<vmem>>, vector<1000x128xf32>
    %get3A_13 = arith.constant 0 : index
    %get3A_14 = arith.constant 0 : index
    %get3A_15 = vector.load %arg3[%get3A_13, %get3A_14] : memref<128x128xf32, #tpu.memory_space<vmem>>, vector<128x128xf32>
    %dot_general3A = arith.constant dense<0.000000e+00> : vector<1000x128xf32>
    %dot_general3A_16 = tpu.matmul %get3A_12, %get3A_15, %dot_general3A {dimension_numbers = #tpu.dot_dimension_numbers<[1], [0], [0], [1], [0, 0, 1, 1], [], []>, precision = #tpu.contract_precision<fp32>, transpose_lhs_hint = false} : vector<1000x128xf32>, vector<128x128xf32>, vector<1000x128xf32> -> vector<1000x128xf32>
    %mul3A = vector.broadcast %rsqrt3A : vector<1000x1xf32> to vector<1000x128xf32>
    %mul3A_17 = arith.mulf %dot_general3A_16, %mul3A : vector<1000x128xf32>
    %slice3A = vector.extract_strided_slice %mul3A_17 {offsets = [0, 0], sizes = [1000, 64], strides = [1, 1]} : vector<1000x128xf32> to vector<1000x64xf32>
    %swap3A_18 = arith.constant 0 : index
    %swap3A_19 = arith.constant 0 : index
    %swap3A_20 = vector.load %arg7[%swap3A_18, %swap3A_19] : memref<1000x64xf32, #tpu.memory_space<vmem>>, vector<1000x64xf32>
    tpu.vector_store %arg7[%swap3A_18, %swap3A_19], %slice3A {strides = array<i32>} : memref<1000x64xf32, #tpu.memory_space<vmem>>, vector<1000x64xf32>,
    %slice3A_21 = vector.extract_strided_slice %mul3A_17 {offsets = [0, 64], sizes = [1000, 64], strides = [1, 1]} : vector<1000x128xf32> to vector<1000x64xf32>
    %swap3A_22 = arith.constant 0 : index
    %swap3A_23 = arith.constant 0 : index
    %swap3A_24 = vector.load %arg8[%swap3A_22, %swap3A_23] : memref<1000x64xf32, #tpu.memory_space<vmem>>, vector<1000x64xf32>
    tpu.vector_store %arg8[%swap3A_22, %swap3A_23], %slice3A_21 {strides = array<i32>} : memref<1000x64xf32, #tpu.memory_space<vmem>>, vector<1000x64xf32>,
    %get3A_25 = arith.constant 0 : index
    %get3A_26 = arith.constant 0 : index
    %get3A_27 = vector.load %arg4[%get3A_25, %get3A_26] : memref<128x128xf32, #tpu.memory_space<vmem>>, vector<128x128xf32>
    %dot_general3A_28 = arith.constant dense<0.000000e+00> : vector<1000x128xf32>
    %dot_general3A_29 = tpu.matmul %get3A_12, %get3A_27, %dot_general3A_28 {dimension_numbers = #tpu.dot_dimension_numbers<[1], [0], [0], [1], [0, 0, 1, 1], [], []>, precision = #tpu.contract_precision<fp32>, transpose_lhs_hint = false} : vector<1000x128xf32>, vector<128x128xf32>, vector<1000x128xf32> -> vector<1000x128xf32>
    %get3A_30 = arith.constant 0 : index
    %get3A_31 = arith.constant 0 : index
    %get3A_32 = vector.load %arg5[%get3A_30, %get3A_31] : memref<1x128xf32, #tpu.memory_space<vmem>>, vector<1x128xf32>
    %add3A_33 = vector.broadcast %get3A_32 : vector<1x128xf32> to vector<1000x128xf32>
    %add3A_34 = arith.addf %dot_general3A_29, %add3A_33 : vector<1000x128xf32>
    %swap3A_35 = arith.constant 0 : index
    %swap3A_36 = arith.constant 0 : index
    %swap3A_37 = vector.load %arg9[%swap3A_35, %swap3A_36] : memref<1000x128xf32, #tpu.memory_space<vmem>>, vector<1000x128xf32>
    tpu.vector_store %arg9[%swap3A_35, %swap3A_36], %add3A_34 {strides = array<i32>} : memref<1000x128xf32, #tpu.memory_space<vmem>>, vector<1000x128xf32>,
    return
  }
  func.func @transform_0(%arg0: i32) -> (i32, i32) {
    %c0_i32 = arith.constant 0 : i32
    %c0_i32_0 = arith.constant 0 : i32
    return %arg0, %c0_i32 : i32, i32
  }
  func.func @transform_1(%arg0: i32) -> (i32, i32) {
    %c0_i32 = arith.constant 0 : i32
    %c0_i32_0 = arith.constant 0 : i32
    return %arg0, %c0_i32 : i32, i32
  }
  func.func @transform_2(%arg0: i32) -> (i32, i32) {
    %c0_i32 = arith.constant 0 : i32
    %c0_i32_0 = arith.constant 0 : i32
    %c0_i32_1 = arith.constant 0 : i32
    return %c0_i32, %c0_i32_0 : i32, i32
  }
  func.func @transform_3(%arg0: i32) -> (i32, i32) {
    %c0_i32 = arith.constant 0 : i32
    %c0_i32_0 = arith.constant 0 : i32
    %c0_i32_1 = arith.constant 0 : i32
    return %c0_i32, %c0_i32_0 : i32, i32
  }
  func.func @transform_4(%arg0: i32) -> (i32, i32) {
    %c0_i32 = arith.constant 0 : i32
    %c0_i32_0 = arith.constant 0 : i32
    %c0_i32_1 = arith.constant 0 : i32
    return %c0_i32, %c0_i32_0 : i32, i32
  }
  func.func @transform_5(%arg0: i32) -> (i32, i32) {
    %c0_i32 = arith.constant 0 : i32
    %c0_i32_0 = arith.constant 0 : i32
    return %arg0, %c0_i32 : i32, i32
  }
  func.func @transform_6(%arg0: i32) -> (i32, i32) {
    %c0_i32 = arith.constant 0 : i32
    %c0_i32_0 = arith.constant 0 : i32
    return %arg0, %c0_i32 : i32, i32
  }
  func.func @transform_7(%arg0: i32) -> (i32, i32) {
    %c0_i32 = arith.constant 0 : i32
    %c0_i32_0 = arith.constant 0 : i32
    return %arg0, %c0_i32 : i32, i32
  }
  func.func @transform_8(%arg0: i32) -> (i32, i32) {
    %c0_i32 = arith.constant 0 : i32
    %c0_i32_0 = arith.constant 0 : i32
    return %arg0, %c0_i32 : i32, i32
  }
}

module attributes {stable_mosaic.version = 14 : i64} {
  func.func @body(%arg0: i32, %arg1: memref<2x2x1000x64xf32, #tpu.memory_space<vmem>>, %arg2: memref<1000x64xf32, #tpu.memory_space<vmem>>, %arg3: memref<1000x64xf32, #tpu.memory_space<vmem>>, %arg4: memref<1000x128xf32, #tpu.memory_space<vmem>>, %arg5: memref<1000x1xf32, #tpu.memory_space<vmem>>, %arg6: memref<1x128xf32, #tpu.memory_space<vmem>>, %arg7: memref<1000x128xf32, #tpu.memory_space<vmem>>, %arg8: memref<2x128xf32, #tpu.memory_space<vmem>>) attributes {dimension_semantics = [#tpu.dimension_semantics<arbitrary>], iteration_bounds = array<i64: 10>, scalar_prefetch = 0 : i64, scratch_operands = 0 : i64, tpu.core_type = #tpu.core_type<tc>, window_params = [{transform_indices = @transform_0, window_bounds = array<i64: 2, 2, 1000, 64>}, {transform_indices = @transform_1, window_bounds = array<i64: 1000, 64>}, {transform_indices = @transform_2, window_bounds = array<i64: 1000, 64>}, {transform_indices = @transform_3, window_bounds = array<i64: 1000, 128>}, {transform_indices = @transform_4, window_bounds = array<i64: 1000, 1>}, {pipeline_mode = #tpu.pipeline_mode<synchronous>, transform_indices = @transform_5, window_bounds = array<i64: 1, 128>}, {transform_indices = @transform_6, window_bounds = array<i64: 1000, 128>}, {pipeline_mode = #tpu.pipeline_mode<synchronous>, transform_indices = @transform_7, window_bounds = array<i64: 2, 128>}]} {
    %get3A = arith.constant 0 : index
    %get3A_0 = arith.constant 0 : index
    %get3A_1 = arith.constant 0 : index
    %get3A_2 = arith.constant 0 : index
    %get3A_3 = vector.load %arg1[%get3A, %get3A_0, %get3A_1, %get3A_2] : memref<2x2x1000x64xf32, #tpu.memory_space<vmem>>, vector<1x1x1000x64xf32>
    %get3A_4 = vector.shape_cast %get3A_3 : vector<1x1x1000x64xf32> to vector<1000x64xf32>
    %get3A_5 = arith.constant 1 : index
    %get3A_6 = arith.constant 0 : index
    %get3A_7 = arith.constant 0 : index
    %get3A_8 = arith.constant 0 : index
    %get3A_9 = vector.load %arg1[%get3A_5, %get3A_6, %get3A_7, %get3A_8] : memref<2x2x1000x64xf32, #tpu.memory_space<vmem>>, vector<1x1x1000x64xf32>
    %get3A_10 = vector.shape_cast %get3A_9 : vector<1x1x1000x64xf32> to vector<1000x64xf32>
    %add3A = arith.addf %get3A_4, %get3A_10 : vector<1000x64xf32>
    %get3A_11 = arith.constant 0 : index
    %get3A_12 = arith.constant 1 : index
    %get3A_13 = arith.constant 0 : index
    %get3A_14 = arith.constant 0 : index
    %get3A_15 = vector.load %arg1[%get3A_11, %get3A_12, %get3A_13, %get3A_14] : memref<2x2x1000x64xf32, #tpu.memory_space<vmem>>, vector<1x1x1000x64xf32>
    %get3A_16 = vector.shape_cast %get3A_15 : vector<1x1x1000x64xf32> to vector<1000x64xf32>
    %get3A_17 = arith.constant 1 : index
    %get3A_18 = arith.constant 1 : index
    %get3A_19 = arith.constant 0 : index
    %get3A_20 = arith.constant 0 : index
    %get3A_21 = vector.load %arg1[%get3A_17, %get3A_18, %get3A_19, %get3A_20] : memref<2x2x1000x64xf32, #tpu.memory_space<vmem>>, vector<1x1x1000x64xf32>
    %get3A_22 = vector.shape_cast %get3A_21 : vector<1x1x1000x64xf32> to vector<1000x64xf32>
    %add3A_23 = arith.addf %get3A_16, %get3A_22 : vector<1000x64xf32>
    %concatenate3A = tpu.concatenate %add3A, %add3A_23 in 1 : vector<1000x64xf32>, vector<1000x64xf32> -> vector<1000x128xf32>
    %get3A_24 = arith.constant 0 : index
    %get3A_25 = arith.constant 0 : index
    %get3A_26 = vector.load %arg2[%get3A_24, %get3A_25] : memref<1000x64xf32, #tpu.memory_space<vmem>>, vector<1000x64xf32>
    %get3A_27 = arith.constant 0 : index
    %get3A_28 = arith.constant 0 : index
    %get3A_29 = vector.load %arg3[%get3A_27, %get3A_28] : memref<1000x64xf32, #tpu.memory_space<vmem>>, vector<1000x64xf32>
    %concatenate3A_30 = tpu.concatenate %get3A_26, %get3A_29 in 1 : vector<1000x64xf32>, vector<1000x64xf32> -> vector<1000x128xf32>
    %get3A_31 = arith.constant 0 : index
    %get3A_32 = arith.constant 0 : index
    %get3A_33 = vector.load %arg5[%get3A_31, %get3A_32] : memref<1000x1xf32, #tpu.memory_space<vmem>>, vector<1000x1xf32>
    %add3A_34 = arith.addf %concatenate3A, %concatenate3A_30 : vector<1000x128xf32>
    %mul3A = vector.broadcast %get3A_33 : vector<1000x1xf32> to vector<1000x128xf32>
    %mul3A_35 = arith.mulf %mul3A, %add3A_34 : vector<1000x128xf32>
    %get3A_36 = arith.constant 0 : index
    %get3A_37 = arith.constant 0 : index
    %get3A_38 = vector.load %arg6[%get3A_36, %get3A_37] : memref<1x128xf32, #tpu.memory_space<vmem>>, vector<1x128xf32>
    %add3A_39 = vector.broadcast %get3A_38 : vector<1x128xf32> to vector<1000x128xf32>
    %add3A_40 = arith.addf %mul3A_35, %add3A_39 : vector<1000x128xf32>
    %get3A_41 = arith.constant 0 : index
    %get3A_42 = arith.constant 0 : index
    %get3A_43 = vector.load %arg4[%get3A_41, %get3A_42] : memref<1000x128xf32, #tpu.memory_space<vmem>>, vector<1000x128xf32>
    %add3A_44 = arith.addf %add3A_40, %get3A_43 : vector<1000x128xf32>
    %swap3A = arith.constant 0 : index
    %swap3A_45 = arith.constant 0 : index
    %swap3A_46 = vector.load %arg7[%swap3A, %swap3A_45] : memref<1000x128xf32, #tpu.memory_space<vmem>>, vector<1000x128xf32>
    tpu.vector_store %arg7[%swap3A, %swap3A_45], %add3A_44 {strides = array<i32>} : memref<1000x128xf32, #tpu.memory_space<vmem>>, vector<1000x128xf32>,
    %reduce_sum3A = arith.constant dense<0.000000e+00> : vector<128xf32>
    %reduce_sum3A_47 = vector.multi_reduction <add>, %add3A_44, %reduce_sum3A [0] : vector<1000x128xf32> to vector<128xf32>
    %broadcast_in_dim3A = vector.shape_cast %reduce_sum3A_47 : vector<128xf32> to vector<1x128xf32>
    %mul3A_48 = arith.mulf %add3A_44, %add3A_44 : vector<1000x128xf32>
    %reduce_sum3A_49 = arith.constant dense<0.000000e+00> : vector<128xf32>
    %reduce_sum3A_50 = vector.multi_reduction <add>, %mul3A_48, %reduce_sum3A_49 [0] : vector<1000x128xf32> to vector<128xf32>
    %broadcast_in_dim3A_51 = vector.shape_cast %reduce_sum3A_50 : vector<128xf32> to vector<1x128xf32>
    %concatenate3A_52 = tpu.concatenate %broadcast_in_dim3A, %broadcast_in_dim3A_51 in 0 : vector<1x128xf32>, vector<1x128xf32> -> vector<2x128xf32>
    %eq3A = arith.constant 0 : i32
    %eq3A_53 = arith.cmpi eq, %arg0, %eq3A : i32
    %convert_element_type3A = arith.extui %eq3A_53 : i1 to i32
    %cond3A = arith.constant 0 : i32
    %cond3A_54 = arith.cmpi ne, %convert_element_type3A, %cond3A : i32
    scf.if %cond3A_54 {
      %swap3A_59 = arith.constant 0 : index
      %swap3A_60 = arith.constant 0 : index
      %swap3A_61 = vector.load %arg8[%swap3A_59, %swap3A_60] : memref<2x128xf32, #tpu.memory_space<vmem>>, vector<2x128xf32>
      tpu.vector_store %arg8[%swap3A_59, %swap3A_60], %concatenate3A_52 {strides = array<i32>} : memref<2x128xf32, #tpu.memory_space<vmem>>, vector<2x128xf32>,
    } else {
    }
    %gt3A = arith.constant 0 : i32
    %gt3A_55 = arith.cmpi sgt, %arg0, %gt3A : i32
    %convert_element_type3A_56 = arith.extui %gt3A_55 : i1 to i32
    %cond3A_57 = arith.constant 0 : i32
    %cond3A_58 = arith.cmpi ne, %convert_element_type3A_56, %cond3A_57 : i32
    scf.if %cond3A_58 {
      %get3A_59 = arith.constant 0 : index
      %get3A_60 = arith.constant 0 : index
      %get3A_61 = vector.load %arg8[%get3A_59, %get3A_60] : memref<2x128xf32, #tpu.memory_space<vmem>>, vector<2x128xf32>
      %add3A_62 = arith.addf %get3A_61, %concatenate3A_52 : vector<2x128xf32>
      %swap3A_63 = arith.constant 0 : index
      %swap3A_64 = arith.constant 0 : index
      %swap3A_65 = vector.load %arg8[%swap3A_63, %swap3A_64] : memref<2x128xf32, #tpu.memory_space<vmem>>, vector<2x128xf32>
      tpu.vector_store %arg8[%swap3A_63, %swap3A_64], %add3A_62 {strides = array<i32>} : memref<2x128xf32, #tpu.memory_space<vmem>>, vector<2x128xf32>,
    } else {
    }
    return
  }
  func.func @transform_0(%arg0: i32) -> (i32, i32, i32, i32) {
    %c0_i32 = arith.constant 0 : i32
    %c0_i32_0 = arith.constant 0 : i32
    %c0_i32_1 = arith.constant 0 : i32
    %c0_i32_2 = arith.constant 0 : i32
    return %c0_i32, %c0_i32_0, %arg0, %c0_i32_1 : i32, i32, i32, i32
  }
  func.func @transform_1(%arg0: i32) -> (i32, i32) {
    %c0_i32 = arith.constant 0 : i32
    %c0_i32_0 = arith.constant 0 : i32
    return %arg0, %c0_i32 : i32, i32
  }
  func.func @transform_2(%arg0: i32) -> (i32, i32) {
    %c0_i32 = arith.constant 0 : i32
    %c0_i32_0 = arith.constant 0 : i32
    return %arg0, %c0_i32 : i32, i32
  }
  func.func @transform_3(%arg0: i32) -> (i32, i32) {
    %c0_i32 = arith.constant 0 : i32
    %c0_i32_0 = arith.constant 0 : i32
    return %arg0, %c0_i32 : i32, i32
  }
  func.func @transform_4(%arg0: i32) -> (i32, i32) {
    %c0_i32 = arith.constant 0 : i32
    %c0_i32_0 = arith.constant 0 : i32
    return %arg0, %c0_i32 : i32, i32
  }
  func.func @transform_5(%arg0: i32) -> (i32, i32) {
    %c0_i32 = arith.constant 0 : i32
    %c0_i32_0 = arith.constant 0 : i32
    %c0_i32_1 = arith.constant 0 : i32
    return %c0_i32, %c0_i32_0 : i32, i32
  }
  func.func @transform_6(%arg0: i32) -> (i32, i32) {
    %c0_i32 = arith.constant 0 : i32
    %c0_i32_0 = arith.constant 0 : i32
    return %arg0, %c0_i32 : i32, i32
  }
  func.func @transform_7(%arg0: i32) -> (i32, i32) {
    %c0_i32 = arith.constant 0 : i32
    %c0_i32_0 = arith.constant 0 : i32
    %c0_i32_1 = arith.constant 0 : i32
    return %c0_i32, %c0_i32_0 : i32, i32
  }
}

module attributes {stable_mosaic.version = 14 : i64} {
  func.func @body(%arg0: i32, %arg1: memref<1000x128xf32, #tpu.memory_space<vmem>>, %arg2: memref<2x128xf32, #tpu.memory_space<vmem>>, %arg3: memref<1x128xf32, #tpu.memory_space<vmem>>, %arg4: memref<1x128xf32, #tpu.memory_space<vmem>>, %arg5: memref<1000x1xf32, #tpu.memory_space<vmem>>, %arg6: memref<128x128xf32, #tpu.memory_space<vmem>>, %arg7: memref<128x128xf32, #tpu.memory_space<vmem>>, %arg8: memref<1x128xf32, #tpu.memory_space<vmem>>, %arg9: memref<1000x64xf32, #tpu.memory_space<vmem>>, %arg10: memref<1000x64xf32, #tpu.memory_space<vmem>>, %arg11: memref<1000x128xf32, #tpu.memory_space<vmem>>) attributes {dimension_semantics = [#tpu.dimension_semantics<arbitrary>], iteration_bounds = array<i64: 10>, scalar_prefetch = 0 : i64, scratch_operands = 0 : i64, tpu.core_type = #tpu.core_type<tc>, window_params = [{transform_indices = @transform_0, window_bounds = array<i64: 1000, 128>}, {pipeline_mode = #tpu.pipeline_mode<synchronous>, transform_indices = @transform_1, window_bounds = array<i64: 2, 128>}, {pipeline_mode = #tpu.pipeline_mode<synchronous>, transform_indices = @transform_2, window_bounds = array<i64: 1, 128>}, {pipeline_mode = #tpu.pipeline_mode<synchronous>, transform_indices = @transform_3, window_bounds = array<i64: 1, 128>}, {transform_indices = @transform_4, window_bounds = array<i64: 1000, 1>}, {pipeline_mode = #tpu.pipeline_mode<synchronous>, transform_indices = @transform_5, window_bounds = array<i64: 128, 128>}, {pipeline_mode = #tpu.pipeline_mode<synchronous>, transform_indices = @transform_6, window_bounds = array<i64: 128, 128>}, {pipeline_mode = #tpu.pipeline_mode<synchronous>, transform_indices = @transform_7, window_bounds = array<i64: 1, 128>}, {transform_indices = @transform_8, window_bounds = array<i64: 1000, 64>}, {transform_indices = @transform_9, window_bounds = array<i64: 1000, 64>}, {transform_indices = @transform_10, window_bounds = array<i64: 1000, 128>}]} {
    %get3A = arith.constant 0 : index
    %get3A_0 = arith.constant 0 : index
    %get3A_1 = vector.load %arg2[%get3A, %get3A_0] : memref<2x128xf32, #tpu.memory_space<vmem>>, vector<1x128xf32>
    %mul3A = arith.constant 9.99999974E-5 : f32
    %mul3A_2 = vector.broadcast %mul3A : f32 to vector<1x128xf32>
    %mul3A_3 = arith.mulf %get3A_1, %mul3A_2 : vector<1x128xf32>
    %get3A_4 = arith.constant 1 : index
    %get3A_5 = arith.constant 0 : index
    %get3A_6 = vector.load %arg2[%get3A_4, %get3A_5] : memref<2x128xf32, #tpu.memory_space<vmem>>, vector<1x128xf32>
    %mul3A_7 = arith.constant 9.99999974E-5 : f32
    %mul3A_8 = vector.broadcast %mul3A_7 : f32 to vector<1x128xf32>
    %mul3A_9 = arith.mulf %get3A_6, %mul3A_8 : vector<1x128xf32>
    %mul3A_10 = arith.mulf %mul3A_3, %mul3A_3 : vector<1x128xf32>
    %sub3A = arith.subf %mul3A_9, %mul3A_10 : vector<1x128xf32>
    %get3A_11 = arith.constant 0 : index
    %get3A_12 = arith.constant 0 : index
    %get3A_13 = vector.load %arg1[%get3A_11, %get3A_12] : memref<1000x128xf32, #tpu.memory_space<vmem>>, vector<1000x128xf32>
    %sub3A_14 = vector.broadcast %mul3A_3 : vector<1x128xf32> to vector<1000x128xf32>
    %sub3A_15 = arith.subf %get3A_13, %sub3A_14 : vector<1000x128xf32>
    %add3A = arith.constant 9.99999974E-6 : f32
    %add3A_16 = vector.broadcast %add3A : f32 to vector<1x128xf32>
    %add3A_17 = arith.addf %sub3A, %add3A_16 : vector<1x128xf32>
    %rsqrt3A = math.rsqrt %add3A_17 : vector<1x128xf32>
    %mul3A_18 = vector.broadcast %rsqrt3A : vector<1x128xf32> to vector<1000x128xf32>
    %mul3A_19 = arith.mulf %sub3A_15, %mul3A_18 : vector<1000x128xf32>
    %get3A_20 = arith.constant 0 : index
    %get3A_21 = arith.constant 0 : index
    %get3A_22 = vector.load %arg3[%get3A_20, %get3A_21] : memref<1x128xf32, #tpu.memory_space<vmem>>, vector<1x128xf32>
    %mul3A_23 = vector.broadcast %get3A_22 : vector<1x128xf32> to vector<1000x128xf32>
    %mul3A_24 = arith.mulf %mul3A_19, %mul3A_23 : vector<1000x128xf32>
    %get3A_25 = arith.constant 0 : index
    %get3A_26 = arith.constant 0 : index
    %get3A_27 = vector.load %arg4[%get3A_25, %get3A_26] : memref<1x128xf32, #tpu.memory_space<vmem>>, vector<1x128xf32>
    %add3A_28 = vector.broadcast %get3A_27 : vector<1x128xf32> to vector<1000x128xf32>
    %add3A_29 = arith.addf %mul3A_24, %add3A_28 : vector<1000x128xf32>
    %gt3A = arith.constant 0.000000e+00 : f32
    %gt3A_30 = vector.broadcast %gt3A : f32 to vector<1000x128xf32>
    %gt3A_31 = arith.cmpf ogt, %add3A_29, %gt3A_30 : vector<1000x128xf32>
    %exp3A = math.exp %add3A_29 : vector<1000x128xf32>
    %sub3A_32 = arith.constant 1.000000e+00 : f32
    %sub3A_33 = vector.broadcast %sub3A_32 : f32 to vector<1000x128xf32>
    %sub3A_34 = arith.subf %exp3A, %sub3A_33 : vector<1000x128xf32>
    %select_n3A = arith.select %gt3A_31, %add3A_29, %sub3A_34 : vector<1000x128xi1>, vector<1000x128xf32>
    %get3A_35 = arith.constant 0 : index
    %get3A_36 = arith.constant 0 : index
    %get3A_37 = vector.load %arg6[%get3A_35, %get3A_36] : memref<128x128xf32, #tpu.memory_space<vmem>>, vector<128x128xf32>
    %dot_general3A = arith.constant dense<0.000000e+00> : vector<1000x128xf32>
    %dot_general3A_38 = tpu.matmul %select_n3A, %get3A_37, %dot_general3A {dimension_numbers = #tpu.dot_dimension_numbers<[1], [0], [0], [1], [0, 0, 1, 1], [], []>, precision = #tpu.contract_precision<fp32>, transpose_lhs_hint = false} : vector<1000x128xf32>, vector<128x128xf32>, vector<1000x128xf32> -> vector<1000x128xf32>
    %get3A_39 = arith.constant 0 : index
    %get3A_40 = arith.constant 0 : index
    %get3A_41 = vector.load %arg5[%get3A_39, %get3A_40] : memref<1000x1xf32, #tpu.memory_space<vmem>>, vector<1000x1xf32>
    %mul3A_42 = vector.broadcast %get3A_41 : vector<1000x1xf32> to vector<1000x128xf32>
    %mul3A_43 = arith.mulf %dot_general3A_38, %mul3A_42 : vector<1000x128xf32>
    %slice3A = vector.extract_strided_slice %mul3A_43 {offsets = [0, 0], sizes = [1000, 64], strides = [1, 1]} : vector<1000x128xf32> to vector<1000x64xf32>
    %swap3A = arith.constant 0 : index
    %swap3A_44 = arith.constant 0 : index
    %swap3A_45 = vector.load %arg9[%swap3A, %swap3A_44] : memref<1000x64xf32, #tpu.memory_space<vmem>>, vector<1000x64xf32>
    tpu.vector_store %arg9[%swap3A, %swap3A_44], %slice3A {strides = array<i32>} : memref<1000x64xf32, #tpu.memory_space<vmem>>, vector<1000x64xf32>,
    %slice3A_46 = vector.extract_strided_slice %mul3A_43 {offsets = [0, 64], sizes = [1000, 64], strides = [1, 1]} : vector<1000x128xf32> to vector<1000x64xf32>
    %swap3A_47 = arith.constant 0 : index
    %swap3A_48 = arith.constant 0 : index
    %swap3A_49 = vector.load %arg10[%swap3A_47, %swap3A_48] : memref<1000x64xf32, #tpu.memory_space<vmem>>, vector<1000x64xf32>
    tpu.vector_store %arg10[%swap3A_47, %swap3A_48], %slice3A_46 {strides = array<i32>} : memref<1000x64xf32, #tpu.memory_space<vmem>>, vector<1000x64xf32>,
    %get3A_50 = arith.constant 0 : index
    %get3A_51 = arith.constant 0 : index
    %get3A_52 = vector.load %arg7[%get3A_50, %get3A_51] : memref<128x128xf32, #tpu.memory_space<vmem>>, vector<128x128xf32>
    %dot_general3A_53 = arith.constant dense<0.000000e+00> : vector<1000x128xf32>
    %dot_general3A_54 = tpu.matmul %select_n3A, %get3A_52, %dot_general3A_53 {dimension_numbers = #tpu.dot_dimension_numbers<[1], [0], [0], [1], [0, 0, 1, 1], [], []>, precision = #tpu.contract_precision<fp32>, transpose_lhs_hint = false} : vector<1000x128xf32>, vector<128x128xf32>, vector<1000x128xf32> -> vector<1000x128xf32>
    %get3A_55 = arith.constant 0 : index
    %get3A_56 = arith.constant 0 : index
    %get3A_57 = vector.load %arg8[%get3A_55, %get3A_56] : memref<1x128xf32, #tpu.memory_space<vmem>>, vector<1x128xf32>
    %add3A_58 = vector.broadcast %get3A_57 : vector<1x128xf32> to vector<1000x128xf32>
    %add3A_59 = arith.addf %dot_general3A_54, %add3A_58 : vector<1000x128xf32>
    %swap3A_60 = arith.constant 0 : index
    %swap3A_61 = arith.constant 0 : index
    %swap3A_62 = vector.load %arg11[%swap3A_60, %swap3A_61] : memref<1000x128xf32, #tpu.memory_space<vmem>>, vector<1000x128xf32>
    tpu.vector_store %arg11[%swap3A_60, %swap3A_61], %add3A_59 {strides = array<i32>} : memref<1000x128xf32, #tpu.memory_space<vmem>>, vector<1000x128xf32>,
    return
  }
  func.func @transform_0(%arg0: i32) -> (i32, i32) {
    %c0_i32 = arith.constant 0 : i32
    %c0_i32_0 = arith.constant 0 : i32
    return %arg0, %c0_i32 : i32, i32
  }
  func.func @transform_1(%arg0: i32) -> (i32, i32) {
    %c0_i32 = arith.constant 0 : i32
    %c0_i32_0 = arith.constant 0 : i32
    %c0_i32_1 = arith.constant 0 : i32
    return %c0_i32, %c0_i32_0 : i32, i32
  }
  func.func @transform_2(%arg0: i32) -> (i32, i32) {
    %c0_i32 = arith.constant 0 : i32
    %c0_i32_0 = arith.constant 0 : i32
    %c0_i32_1 = arith.constant 0 : i32
    return %c0_i32, %c0_i32_0 : i32, i32
  }
  func.func @transform_3(%arg0: i32) -> (i32, i32) {
    %c0_i32 = arith.constant 0 : i32
    %c0_i32_0 = arith.constant 0 : i32
    %c0_i32_1 = arith.constant 0 : i32
    return %c0_i32, %c0_i32_0 : i32, i32
  }
  func.func @transform_4(%arg0: i32) -> (i32, i32) {
    %c0_i32 = arith.constant 0 : i32
    %c0_i32_0 = arith.constant 0 : i32
    return %arg0, %c0_i32 : i32, i32
  }
  func.func @transform_5(%arg0: i32) -> (i32, i32) {
    %c0_i32 = arith.constant 0 : i32
    %c0_i32_0 = arith.constant 0 : i32
    %c0_i32_1 = arith.constant 0 : i32
    return %c0_i32, %c0_i32_0 : i32, i32
  }
  func.func @transform_6(%arg0: i32) -> (i32, i32) {
    %c0_i32 = arith.constant 0 : i32
    %c0_i32_0 = arith.constant 0 : i32
    %c0_i32_1 = arith.constant 0 : i32
    return %c0_i32, %c0_i32_0 : i32, i32
  }
  func.func @transform_7(%arg0: i32) -> (i32, i32) {
    %c0_i32 = arith.constant 0 : i32
    %c0_i32_0 = arith.constant 0 : i32
    %c0_i32_1 = arith.constant 0 : i32
    return %c0_i32, %c0_i32_0 : i32, i32
  }
  func.func @transform_8(%arg0: i32) -> (i32, i32) {
    %c0_i32 = arith.constant 0 : i32
    %c0_i32_0 = arith.constant 0 : i32
    return %arg0, %c0_i32 : i32, i32
  }
  func.func @transform_9(%arg0: i32) -> (i32, i32) {
    %c0_i32 = arith.constant 0 : i32
    %c0_i32_0 = arith.constant 0 : i32
    return %arg0, %c0_i32 : i32, i32
  }
  func.func @transform_10(%arg0: i32) -> (i32, i32) {
    %c0_i32 = arith.constant 0 : i32
    %c0_i32_0 = arith.constant 0 : i32
    return %arg0, %c0_i32 : i32, i32
  }
}

module attributes {stable_mosaic.version = 14 : i64} {
  func.func @body(%arg0: i32, %arg1: memref<1000x128xf32, #tpu.memory_space<vmem>>, %arg2: memref<2x128xf32, #tpu.memory_space<vmem>>, %arg3: memref<1x128xf32, #tpu.memory_space<vmem>>, %arg4: memref<1x128xf32, #tpu.memory_space<vmem>>, %arg5: memref<1x128xf32, #tpu.memory_space<vmem>>, %arg6: memref<1x1xf32, #tpu.memory_space<vmem>>, %arg7: memref<1000x1xf32, #tpu.memory_space<vmem>>) attributes {dimension_semantics = [#tpu.dimension_semantics<arbitrary>], iteration_bounds = array<i64: 10>, scalar_prefetch = 0 : i64, scratch_operands = 0 : i64, tpu.core_type = #tpu.core_type<tc>, window_params = [{transform_indices = @transform_0, window_bounds = array<i64: 1000, 128>}, {pipeline_mode = #tpu.pipeline_mode<synchronous>, transform_indices = @transform_1, window_bounds = array<i64: 2, 128>}, {pipeline_mode = #tpu.pipeline_mode<synchronous>, transform_indices = @transform_2, window_bounds = array<i64: 1, 128>}, {pipeline_mode = #tpu.pipeline_mode<synchronous>, transform_indices = @transform_3, window_bounds = array<i64: 1, 128>}, {pipeline_mode = #tpu.pipeline_mode<synchronous>, transform_indices = @transform_4, window_bounds = array<i64: 1, 128>}, {pipeline_mode = #tpu.pipeline_mode<synchronous>, transform_indices = @transform_5, window_bounds = array<i64: 1, 1>}, {transform_indices = @transform_6, window_bounds = array<i64: 1000, 1>}]} {
    %get3A = arith.constant 0 : index
    %get3A_0 = arith.constant 0 : index
    %get3A_1 = vector.load %arg2[%get3A, %get3A_0] : memref<2x128xf32, #tpu.memory_space<vmem>>, vector<1x128xf32>
    %mul3A = arith.constant 9.99999974E-5 : f32
    %mul3A_2 = vector.broadcast %mul3A : f32 to vector<1x128xf32>
    %mul3A_3 = arith.mulf %get3A_1, %mul3A_2 : vector<1x128xf32>
    %get3A_4 = arith.constant 1 : index
    %get3A_5 = arith.constant 0 : index
    %get3A_6 = vector.load %arg2[%get3A_4, %get3A_5] : memref<2x128xf32, #tpu.memory_space<vmem>>, vector<1x128xf32>
    %mul3A_7 = arith.constant 9.99999974E-5 : f32
    %mul3A_8 = vector.broadcast %mul3A_7 : f32 to vector<1x128xf32>
    %mul3A_9 = arith.mulf %get3A_6, %mul3A_8 : vector<1x128xf32>
    %mul3A_10 = arith.mulf %mul3A_3, %mul3A_3 : vector<1x128xf32>
    %sub3A = arith.subf %mul3A_9, %mul3A_10 : vector<1x128xf32>
    %get3A_11 = arith.constant 0 : index
    %get3A_12 = arith.constant 0 : index
    %get3A_13 = vector.load %arg1[%get3A_11, %get3A_12] : memref<1000x128xf32, #tpu.memory_space<vmem>>, vector<1000x128xf32>
    %sub3A_14 = vector.broadcast %mul3A_3 : vector<1x128xf32> to vector<1000x128xf32>
    %sub3A_15 = arith.subf %get3A_13, %sub3A_14 : vector<1000x128xf32>
    %add3A = arith.constant 9.99999974E-6 : f32
    %add3A_16 = vector.broadcast %add3A : f32 to vector<1x128xf32>
    %add3A_17 = arith.addf %sub3A, %add3A_16 : vector<1x128xf32>
    %rsqrt3A = math.rsqrt %add3A_17 : vector<1x128xf32>
    %mul3A_18 = vector.broadcast %rsqrt3A : vector<1x128xf32> to vector<1000x128xf32>
    %mul3A_19 = arith.mulf %sub3A_15, %mul3A_18 : vector<1000x128xf32>
    %get3A_20 = arith.constant 0 : index
    %get3A_21 = arith.constant 0 : index
    %get3A_22 = vector.load %arg3[%get3A_20, %get3A_21] : memref<1x128xf32, #tpu.memory_space<vmem>>, vector<1x128xf32>
    %mul3A_23 = vector.broadcast %get3A_22 : vector<1x128xf32> to vector<1000x128xf32>
    %mul3A_24 = arith.mulf %mul3A_19, %mul3A_23 : vector<1000x128xf32>
    %get3A_25 = arith.constant 0 : index
    %get3A_26 = arith.constant 0 : index
    %get3A_27 = vector.load %arg4[%get3A_25, %get3A_26] : memref<1x128xf32, #tpu.memory_space<vmem>>, vector<1x128xf32>
    %add3A_28 = vector.broadcast %get3A_27 : vector<1x128xf32> to vector<1000x128xf32>
    %add3A_29 = arith.addf %mul3A_24, %add3A_28 : vector<1000x128xf32>
    %gt3A = arith.constant 0.000000e+00 : f32
    %gt3A_30 = vector.broadcast %gt3A : f32 to vector<1000x128xf32>
    %gt3A_31 = arith.cmpf ogt, %add3A_29, %gt3A_30 : vector<1000x128xf32>
    %exp3A = math.exp %add3A_29 : vector<1000x128xf32>
    %sub3A_32 = arith.constant 1.000000e+00 : f32
    %sub3A_33 = vector.broadcast %sub3A_32 : f32 to vector<1000x128xf32>
    %sub3A_34 = arith.subf %exp3A, %sub3A_33 : vector<1000x128xf32>
    %select_n3A = arith.select %gt3A_31, %add3A_29, %sub3A_34 : vector<1000x128xi1>, vector<1000x128xf32>
    %get3A_35 = arith.constant 0 : index
    %get3A_36 = arith.constant 0 : index
    %get3A_37 = vector.load %arg5[%get3A_35, %get3A_36] : memref<1x128xf32, #tpu.memory_space<vmem>>, vector<1x128xf32>
    %mul3A_38 = vector.broadcast %get3A_37 : vector<1x128xf32> to vector<1000x128xf32>
    %mul3A_39 = arith.mulf %select_n3A, %mul3A_38 : vector<1000x128xf32>
    %reduce_sum3A = arith.constant dense<0.000000e+00> : vector<1000xf32>
    %reduce_sum3A_40 = vector.multi_reduction <add>, %mul3A_39, %reduce_sum3A [1] : vector<1000x128xf32> to vector<1000xf32>
    %broadcast_in_dim3A = vector.shape_cast %reduce_sum3A_40 : vector<1000xf32> to vector<1000x1xf32>
    %get3A_41 = arith.constant 0 : index
    %get3A_42 = arith.constant 0 : index
    %get3A_43 = vector.load %arg6[%get3A_41, %get3A_42] : memref<1x1xf32, #tpu.memory_space<vmem>>, vector<1x1xf32>
    %add3A_44 = vector.broadcast %get3A_43 : vector<1x1xf32> to vector<1000x1xf32>
    %add3A_45 = arith.addf %broadcast_in_dim3A, %add3A_44 : vector<1000x1xf32>
    %swap3A = arith.constant 0 : index
    %swap3A_46 = arith.constant 0 : index
    %swap3A_47 = vector.load %arg7[%swap3A, %swap3A_46] : memref<1000x1xf32, #tpu.memory_space<vmem>>, vector<1000x1xf32>
    tpu.vector_store %arg7[%swap3A, %swap3A_46], %add3A_45 {strides = array<i32>} : memref<1000x1xf32, #tpu.memory_space<vmem>>, vector<1000x1xf32>,
    return
  }
  func.func @transform_0(%arg0: i32) -> (i32, i32) {
    %c0_i32 = arith.constant 0 : i32
    %c0_i32_0 = arith.constant 0 : i32
    return %arg0, %c0_i32 : i32, i32
  }
  func.func @transform_1(%arg0: i32) -> (i32, i32) {
    %c0_i32 = arith.constant 0 : i32
    %c0_i32_0 = arith.constant 0 : i32
    %c0_i32_1 = arith.constant 0 : i32
    return %c0_i32, %c0_i32_0 : i32, i32
  }
  func.func @transform_2(%arg0: i32) -> (i32, i32) {
    %c0_i32 = arith.constant 0 : i32
    %c0_i32_0 = arith.constant 0 : i32
    %c0_i32_1 = arith.constant 0 : i32
    return %c0_i32, %c0_i32_0 : i32, i32
  }
  func.func @transform_3(%arg0: i32) -> (i32, i32) {
    %c0_i32 = arith.constant 0 : i32
    %c0_i32_0 = arith.constant 0 : i32
    %c0_i32_1 = arith.constant 0 : i32
    return %c0_i32, %c0_i32_0 : i32, i32
  }
  func.func @transform_4(%arg0: i32) -> (i32, i32) {
    %c0_i32 = arith.constant 0 : i32
    %c0_i32_0 = arith.constant 0 : i32
    %c0_i32_1 = arith.constant 0 : i32
    return %c0_i32, %c0_i32_0 : i32, i32
  }
  func.func @transform_5(%arg0: i32) -> (i32, i32) {
    %c0_i32 = arith.constant 0 : i32
    %c0_i32_0 = arith.constant 0 : i32
    %c0_i32_1 = arith.constant 0 : i32
    return %c0_i32, %c0_i32_0 : i32, i32
  }
  func.func @transform_6(%arg0: i32) -> (i32, i32) {
    %c0_i32 = arith.constant 0 : i32
    %c0_i32_0 = arith.constant 0 : i32
    return %arg0, %c0_i32 : i32, i32
  }
}

</mosaic_0001>

<sc_bundles>
// kernel: kernel.10.cloned.1.call-start
scs
__scs_entry_jumppad:
0x0: {  	(pc) =	sbr.rel $0x88, $3  }
0x1: {  	(tag) =	ssettag $0x0;
	lr =	simm.s32 $0x1  }
0x2: {  	[smem:$0x3F91] =	sst lr;
	_ =	strace $0xD0000000  }
0x3: {  	_ = 	snop  }
0x4: {  	_ = 	snop  }
0x5: {  	_ = 	snop  }
0x6: {  	_ = 	snop  }
0x7: {  	_ = 	snop  }
__scs_overlays_trampoline_lowered:
0x8: {  	[smem:$0x3FA0] =	sst s0  }
0x9: {  	[smem:$0x3FA1] =	sst s1  }
0xa: {  	[smem:$0x3FA2] =	sst s2  }
0xb: {  	[smem:$0x3FA3] =	sst s3  }
0xc: {  	[smem:$0x3FA4] =	sst s4  }
0xd: {  	[smem:$0x3FA5] =	sst s5  }
0xe: {  	[smem:$0x3FA6] =	sst s6  }
0xf: {  	[smem:$0x3FA7] =	sst s7  }
0x10: {  	[smem:$0x3FA8] =	sst s8  }
0x11: {  	[smem:$0x3FA9] =	sst s9;
	s0 =	simm.s32 @!p0 $0x0  }
0x12: {  	s1 =	sld [smem:$0x3F8F];
	s0 =	simm.s32 @p0 $0x1  }
0x13: {  	[smem:$0x3FAA] =	sst s0;
	s0 =	simm.s32 @!p1 $0x0  }
0x14: {  	s2 =	sld [smem:$0x3F8E];
	s0 =	simm.s32 @p1 $0x1  }
0x15: {  	[smem:$0x3FAB] =	sst s0;
	s0 =	simm.s32 @!p2 $0x0  }
0x16: {  	s3 =	sld [smem:$0x3FDB];
	s0 =	simm.s32 @p2 $0x1  }
0x17: {  	s4 =	simm.s32 $0x1BF5;
	[smem:$0x3FAD] =	sst s0  }
0x18: {  	s0 =	sld [smem:$0x3F90];
	_ =	swait.ge [sflag:s4], $0x0  }
0x19: {  	s7 =	sld [smem:$0x3F91]  }
0x1a: {  	s8 =	sadd.s32 $0xFFFFE003, lr  }
0x1b: {  	s9 =	sadd.s32 $0xFFFFFEF7, lr;
	s5 =	simm.s32 $0xFFFFFFFF;
	p2 =	slt.u32 s8, $0xFFFFF086  }
0x1c: {  	p1 =	slt.u32 s9, $0xF7A;
	s5 =	simm.s32 @!p2 $0x0  }
0x1d: {  	s5 =	simm.s32 @p1 $0x1;
	p0 =	seq.s32 s7, s2  }
0x1e: {  	s7 =	smul.u32 @!p0 $0xF7A, s2;
	p2 =	seq.s32 @!p0 s5, $0x0  }
0x1f: {  	s9 =	smul.u32 $0xF7A, s1;
	s8 =	simm.s32 @!p0 $0x1BF5;
	p2 =	por !p2, p0  }
0x20: {  	[sflag:s8] =	ssyncset.s32 @!p0 $0xFFFFF086;
	s6 =	sadd.s32 @!p0 s3, s7;
	s7 =	simm.s32 @!p0 $0x108  }
0x21: {  	s3 =	sadd.s32 s3, s9;
	s6 =	sadd.s32 @!p0 $0x88, s6;
	s7 =	simm.s32 @p2 $0x1082  }
0x22: {  	[simem:s7], [sflag:s8] =	dma.local @!p0 [hbm:s6], $0xF7A  }
0x23: {  	s9 =	sor.u32 $0xD0000000, s2;
	s6 =	simm.s32 $0x108;
	_ =	swait.ge @!p0 [sflag:s8], $0x0  }
0x24: {  	s3 =	sadd.s32 $0x88, s3;
	s6 =	simm.s32 @!p1 $0x1082;
	[sflag:s4] =	ssyncset.s32 $0xFFFFF086  }
0x25: {  	[simem:s6], [sflag:s4] =	dma.local [hbm:s3], $0xF7A  }
0x26: {  	[smem:$0x3F91] =	sst s1;
	(tag) =	ssettag s2;
	_ =	strace s9  }
0x27: {  	s1 =	sld [smem:$0x3FA1]  }
0x28: {  	s2 =	sld [smem:$0x3FA2]  }
0x29: {  	s4 =	sld [smem:$0x3FA4]  }
0x2a: {  	p0 =	seq.s32 s5, $0x0;
	s5 =	sld [smem:$0x3FA5]  }
0x2b: {  	s6 =	sld [smem:$0x3FA6]  }
0x2c: {  	s7 =	sld [smem:$0x3FA7]  }
0x2d: {  	s3 =	simm.s32 $0x108;
	s8 =	sld [smem:$0x3FA8]  }
0x2e: {  	s3 =	simm.s32 @!p0 $0x1082;
	s9 =	sld [smem:$0x3FA9]  }
0x2f: {  	lr =	sadd.s32 s0, s3;
	s0 =	sld [smem:$0x3FA0]  }
0x30: {  	s3 =	sld [smem:$0x3FA3]  }
0x31: {  	[smem:$0x3FAC] =	sst s10  }
0x32: {  	s10 =	sld [smem:$0x3FAA];
	_ =	sdelay $0x3  }
0x33: {  	p0 =	seq.s32 s10, $0x1;
	s10 =	sld [smem:$0x3FAC];
	_ =	sdelay $0x3  }
0x34: {  	[smem:$0x3FAC] =	sst s10  }
0x35: {  	s10 =	sld [smem:$0x3FAB];
	_ =	sdelay $0x3  }
0x36: {  	p1 =	seq.s32 s10, $0x1;
	s10 =	sld [smem:$0x3FAC];
	_ =	sdelay $0x3  }
0x37: {  	[smem:$0x3FAC] =	sst s10  }
0x38: {  	s10 =	sld [smem:$0x3FAD]  }
0x39: {  	_ = 	snop;
	(pc) =	sbr.ind lr, $3  }
0x3a: {  	_ = 	snop  }
0x3b: {  	_ = 	snop  }
0x3c: {  	p2 =	seq.s32 s10, $0x1;
	s10 =	sld [smem:$0x3FAC]  }
0x3d: {  	_ =	shalt  }
0x3e: {  	_ =	shalt  }
0x3f: {  	_ =	shalt  }
0x40: {  	_ =	shalt  }
0x41: {  	_ =	shalt  }
0x42: {  	_ =	shalt  }
0x43: {  	_ =	shalt  }
0x44: {  	_ =	shalt  }
0x45: {  	_ =	shalt  }
0x46: {  	_ =	shalt  }
0x47: {  	_ =	shalt  }
0x48: {  	_ =	shalt  }
0x49: {  	_ =	shalt  }
0x4a: {  	_ =	shalt  }
0x4b: {  	_ =	shalt  }
0x4c: {  	_ =	shalt  }
0x4d: {  	_ =	shalt  }
0x4e: {  	_ =	shalt  }
0x4f: {  	_ =	shalt  }
0x50: {  	_ =	shalt  }
0x51: {  	_ =	shalt  }
0x52: {  	_ =	shalt  }
0x53: {  	_ =	shalt  }
0x54: {  	_ =	shalt  }
0x55: {  	_ =	shalt  }
0x56: {  	_ =	shalt  }
0x57: {  	_ =	shalt  }
0x58: {  	_ =	shalt  }
0x59: {  	_ =	shalt  }
0x5a: {  	_ =	shalt  }
0x5b: {  	_ =	shalt  }
0x5c: {  	_ =	shalt  }
0x5d: {  	_ =	shalt  }
0x5e: {  	_ =	shalt  }
0x5f: {  	_ =	shalt  }
0x60: {  	_ =	shalt  }
0x61: {  	_ =	shalt  }
0x62: {  	_ =	shalt  }
0x63: {  	_ =	shalt  }
0x64: {  	_ =	shalt  }
0x65: {  	_ =	shalt  }
0x66: {  	_ =	shalt  }
0x67: {  	_ =	shalt  }
0x68: {  	_ =	shalt  }
0x69: {  	_ =	shalt  }
0x6a: {  	_ =	shalt  }
0x6b: {  	_ =	shalt  }
0x6c: {  	_ =	shalt  }
0x6d: {  	_ =	shalt  }
0x6e: {  	_ =	shalt  }
0x6f: {  	_ =	shalt  }
0x70: {  	_ =	shalt  }
0x71: {  	_ =	shalt  }
0x72: {  	_ =	shalt  }
0x73: {  	_ =	shalt  }
0x74: {  	_ =	shalt  }
0x75: {  	_ =	shalt  }
0x76: {  	_ =	shalt  }
0x77: {  	_ =	shalt  }
0x78: {  	_ =	shalt  }
0x79: {  	_ =	shalt  }
0x7a: {  	_ =	shalt  }
0x7b: {  	_ =	shalt  }
0x7c: {  	_ =	shalt  }
0x7d: {  	_ =	shalt  }
0x7e: {  	_ =	shalt  }
0x7f: {  	_ =	shalt  }
0x80: {  	_ =	shalt  }
0x81: {  	_ =	shalt  }
0x82: {  	_ =	shalt  }
0x83: {  	_ =	shalt  }
0x84: {  	_ =	shalt  }
0x85: {  	_ =	shalt  }
0x86: {  	_ =	shalt  }
0x87: {  	_ =	shalt  }
.Lfunc_end0:
.L_simem_size_0:
called_computation_lowered:
.L_overlay_start_0:
0x88: {  	s2 =	sld [smem:$0x3FD9]  }
0x89: {  	s3 =	sld [smem:$0x3FFE];
	_ =	sdelay $0x1  }
0x8a: {  	s1 =	srdreg.scid  }
0x8b: {  	s0 =	sand.u32 $0x1, s1  }
0x8c: {  	s16 =	sshll.u32 s0, $0xA;
	s2 =	sadd.s32 s3, s2  }
0x8d: {  	s2 =	sadd.s32 s2, s16  }
0x8e: {  	[smem:$0x3FB8] =	sst s2  }
0x8f: {  	_ = 	snop  }
0x90: {  	(tm) =	ssettm $0x1  }
0x91: {  	s17 =	sld [smem:$0x3FFB];
	_ =	sdelay $0x3  }
0x92: {  	_ =	strace s17  }
0x93: {  	s2 =	sld [smem:$0x3FFC];
	_ =	sdelay $0x3  }
0x94: {  	_ =	strace s2  }
0x95: {  	s2 =	sld [smem:$0x3FFD];
	_ =	sdelay $0x3  }
0x96: {  	_ =	strace s2  }
0x97: {  	_ =	strace $0x8FFFFFFF  }
0x98: {  	s18 =	sld [smem:$0x3FDB];
	_ =	sdelay $0x1  }
0x99: {  	s19 =	simm.s32 $_scs_section_size  }
0x9a: {  	s4 =	simm.s32 $_size__tile_overlayer_lowered;
	s5 =	simm.s32 $_tile_overlayer_lowered  }
0x9b: {  	s22 =	simm.s32 $0x1BFF;
	s21 =	sshll.u32 s5, $0x1;
	s2 =	sadd.s32 s19, s18  }
0x9c: {  	s6 =	simm.s32 $0x0;
	s20 =	sshll.u32 s4, $0x1;
	s4 =	sadd.s32 s21, s2  }
0x9d: {  	[timem:s6], [sflag:s22] =	dma.local [hbm:s4], s20  }
0x9e: {  	_ =	swait.ge [sflag:s22], s20  }
0x9f: {  	s3 =	ssub.s32 $0x0, s20;
	[sflag:s22] =	ssyncset.done $0x0  }
0xa0: {  	[sflag:s22] =	ssyncadd.s32 s3;
	_ =	sdelay $0x1  }
0xa1: {  	s23 =	simm.s32 $0x1B8B  }
0xa2: {  	_ =	swait.ge [sflag:s23], $0x1  }
0xa3: {  	[sflag:s23] =	ssyncset.done $0x0  }
0xa4: {  	s25 =	simm.s32 $0x1B8E;
	s24 =	sld [smem:$0x3FFE];
	[sflag:s23] =	ssyncadd.s32 $0xFFFFFFFF  }
0xa5: {  	s26 =	simm.s32 $execute0_lowered;
	[smem:$0x3FD2] =	sst s25  }
0xa6: {  	s4 =	sshll.u32 s26, $0x1;
	_ =	strace $0x80000046;
	[dreg:$0x1] =	wrdreg $0xFFFFFFFF  }
0xa7: {  	s28 =	simm.s32 $_size_execute0_lowered;
	s2 =	sadd.s32 s2, s4;
	[dreg:$0x0] =	wrdreg $0x0  }
0xa8: {  	s4 =	sshll.u32 s28, $0x1;
	[dreg:$0x2] =	wrdreg s2  }
0xa9: {  	[dreg:$0x3] =	wrdreg s4  }
0xaa: {  	[dreg:$0x4] =	wrdreg $0xC0  }
0xab: {  	_ =	task [dreg:s6], $0x5FFFF  }
0xac: {  	[dreg:$0x1] =	wrdreg $0xFFFFFFFF  }
0xad: {  	[dreg:$0x0] =	wrdreg $0x60  }
0xae: {  	[dreg:$0x2] =	wrdreg s24  }
0xaf: {  	[dreg:$0x3] =	wrdreg $0x43000  }
0xb0: {  	[dreg:$0x4] =	wrdreg $0x9  }
0xb1: {  	_ =	task.clear_ibuf [dreg:s6], $0x5FFFF;
	_ =	strace $0x90000046  }
0xb2: {  	s29 =	simm.s32 $0x9;
	_ =	strace $0x80000048  }
0xb3: {  	_ =	swait.ge [sflag:s29], $0x1  }
0xb4: {  	[sflag:s29] =	ssyncadd.s32 $0xFFFFFFFF  }
0xb5: {  	_ =	strace $0x90000048  }
0xb6: {  	_ =	sfence  }
0xb7: {  	s30 =	sld [smem:$0x0];
	_ =	sdelay $0x2  }
0xb8: {  	s31 =	sshll.u32 s1, $0xD;
	s1 =	sshrl.u32 s1, $0x2  }
0xb9: {  	s3 =	sand.u32 $0x4000, s31;
	s1 =	sadd.s32 s1, s30  }
0xba: {  	s0 =	sor.u32 s3, s0;
	s1 =	sshll.u32 s1, $0x11  }
0xbb: {  	s0 =	sor.u32 s1, s0  }
0xbc: {  	s0 =	sadd.s32 $0x8F2B, s0  }
0xbd: {  	[sflag:s0] =	ssyncadd.remote.s32 $0x1  }
0xbe: {  	_ =	sfence.sel $0xFFFF  }
0xbf: {  	[dreg:$0x0] =	wrdreg $0xFFFFFFFF;
	(pc) =	sbr.abs _section_cstart, $3  }
0xc0: {  	[dreg:$0x1] =	wrdreg $0xFFFFFFFF  }
0xc1: {  	_ =	task.clear_ibuf [dreg:s6], $0x2FFFF;
	_ =	strace $0x9FFFFFFF  }
0xc2: {  	(tm) =	ssettm $0x7FFFFFFF  }
0xc3: {  	_ =	shalt  }
tec
execute0_lowered:
.L_overlay_start_1:
0x0: {  	(tag) =	ssettag $0x1  }
0x1: {  	s4 =	rddreg [dreg:$0x0]  }
0x2: {  	s2 =	rddreg [dreg:$0x1]  }
0x3: {  	s0 =	rddreg [dreg:$0x2];
	s1 =	stileid.u32  }
0x4: {  	s5 =	srdreg.scid;
	s3 =	simm.s32 $0x0;
	s10 =	simm.s32 $0x50  }
0x5: {  	s11 =	simm.s32 $0x4000;
	s14 =	simm.s32 $0x20;
	s15 =	simm.s32 $0x10  }
0x6: {  	s16 =	simm.s32 $0x0;
	s5 =	sand.u32 $0x1, s5;
	s6 =	smul.u32 $0x500, s1  }
0x7: {  	[smem:$0x7FF] =	sst s3;
	s8 =	sshll.u32 s1, $0xB;
	s29 =	smul.u32 $0xA00, s1  }
0x8: {  	s12 =	sshll.u32 s1, $0x6;
	s7 =	sshll.u32 s5, $0x7;
	_ =	strace $0x80000047  }
0x9: {  	s28 =	sadd.s32 s8, s4;
	s30 =	ssub.s32 $0x2, s5;
	s5 =	sshll.u32 s5, $0xF  }
0xa: {  	s12 =	sor.u32 $0x1C01, s12;
	s6 =	sor.u32 s7, s6;
	s9 =	sshrl.u32 s30, $0x1  }
0xb: {  	s8 =	sshrl.u32 s29, $0x2;
	s5 =	sadd.s32 s5, s28;
	s6 =	sshrl.u32 s6, $0x3  }
0xc: {  	s31 =	ssub.s32 s30, s9;
	s5 =	sadd.s32 $0x16600, s5;
	s9 =	simm.s32 $0x1  }
0xd: {  	s6 =	sadd.s32 s6, s4;
	s4 =	sadd.s32 s8, s2;
	s7 =	smax.u32 s31, $0x1  }
0xe: {  	v0 =	vimm.f32 $1.000000000e+00;
	v1 =	vimm.f32 $0.0e+00;
	s8 =	simm.s32 $0x4080;
	s6 =	sadd.s32 $0x26600, s6;
	s13 =	sshrl.u32 s4, $0x3  }
.LBB2_1:
0xf: {  	[tilespmem:$0x4000] =	vst v0  }
0x10: {  	[tilespmem:$0x4010] =	vst v0  }
0x11: {  	[tilespmem:$0x4020] =	vst v0  }
0x12: {  	[tilespmem:$0x4030] =	vst v0  }
0x13: {  	[tilespmem:$0x4040] =	vst v0  }
0x14: {  	[tilespmem:$0x4080] =	vst v1  }
0x15: {  	[tilespmem:$0x4090] =	vst v1  }
0x16: {  	[tilespmem:$0x40A0] =	vst v1  }
0x17: {  	[tilespmem:$0x40B0] =	vst v1  }
0x18: {  	[tilespmem:$0x40C0] =	vst v1  }
0x19: {  	[tilespmem:$0x40D0] =	vst v1  }
0x1a: {  	[tilespmem:$0x40E0] =	vst v1  }
0x1b: {  	[tilespmem:$0x40F0] =	vst v1  }
0x1c: {  	[tilespmem:$0x4100] =	vst v1  }
0x1d: {  	[tilespmem:$0x4110] =	vst v1  }
0x1e: {  	[tilespmem:$0x4120] =	vst v1  }
0x1f: {  	[tilespmem:$0x4130] =	vst v1  }
0x20: {  	[tilespmem:$0x4140] =	vst v1  }
0x21: {  	[tilespmem:$0x4150] =	vst v1  }
0x22: {  	[tilespmem:$0x4160] =	vst v1  }
0x23: {  	[tilespmem:$0x4170] =	vst v1  }
0x24: {  	[tilespmem:$0x4180] =	vst v1  }
0x25: {  	[tilespmem:$0x4190] =	vst v1  }
0x26: {  	[tilespmem:$0x41A0] =	vst v1  }
0x27: {  	[tilespmem:$0x41B0] =	vst v1  }
0x28: {  	[tilespmem:$0x41C0] =	vst v1  }
0x29: {  	[tilespmem:$0x41D0] =	vst v1  }
0x2a: {  	[tilespmem:$0x41E0] =	vst v1  }
0x2b: {  	[tilespmem:$0x41F0] =	vst v1  }
0x2c: {  	[tilespmem:$0x4200] =	vst v1  }
0x2d: {  	[tilespmem:$0x4210] =	vst v1  }
0x2e: {  	[tilespmem:$0x4220] =	vst v1  }
0x2f: {  	[tilespmem:$0x4230] =	vst v1  }
0x30: {  	[tilespmem:$0x4240] =	vst v1  }
0x31: {  	[tilespmem:$0x4250] =	vst v1  }
0x32: {  	[tilespmem:$0x4260] =	vst v1  }
0x33: {  	[tilespmem:$0x4270] =	vst v1  }
0x34: {  	[tilespmem:$0x4280] =	vst v1  }
0x35: {  	[tilespmem:$0x4290] =	vst v1  }
0x36: {  	[tilespmem:$0x42A0] =	vst v1  }
0x37: {  	[tilespmem:$0x42B0] =	vst v1  }
0x38: {  	[tilespmem:$0x42C0] =	vst v1  }
0x39: {  	[tilespmem:$0x42D0] =	vst v1  }
0x3a: {  	[tilespmem:$0x42E0] =	vst v1  }
0x3b: {  	[tilespmem:$0x42F0] =	vst v1  }
0x3c: {  	[spmem:s4] =	stream.linear.scatter [tilespmem:s8], [sflag:$0x1], $0x280, $0x38;
	[tilespmem:$0x4580] =	vst v63  }
0x3d: {  	_ =	swait.ge [sflag:s9], $0x280  }
0x3e: {  	[sflag:s9] =	ssyncset.done $0x0  }
0x3f: {  	[sflag:s9] =	ssyncadd.s32 $0xFFFFFD80  }
0x40: {  	[bflag:$0x0] =	sbarrier.arrive $0xFFFF  }
0x41: {  	[tilespmem:s3], [sflag:$0x1] =	stream.linear.gather [hbm4b:s5+s3], $0x3E80, $0x38;
	[tilespmem:$0x4580] =	vst v63  }
0x42: {  	_ =	swait.ge [sflag:s9], $0x3E80  }
0x43: {  	[sflag:s9] =	ssyncset.done $0x0  }
0x44: {  	s17 =	simm.s32 $0x0;
	[sflag:s9] =	ssyncadd.s32 $0xFFFFC180  }
0x45: {  	[spmem:s2] =	stream.indirect.scatter.add.f32 [tilespmem:s11], [sflag:$0x1], $0x1, s17, s10, $0xb8;
	[tilespmem:$0x4580] =	vst v63  }
0x46: {  	_ =	swait.ge [sflag:s9], $0x50  }
0x47: {  	s17 =	simm.s32 $0x200;
	[sflag:s9] =	ssyncset.done $0x0  }
.LBB2_2:
0x48: {  	s18 =	sshra.s32 s17, $0x2;
	[sflag:s9] =	ssyncadd.s32 $0xFFFFFFB0;
	p0 =	sne.s32 s17, $0xF800  }
0x49: {  	[spmem:s2] =	stream.indirect.scatter.add.f32 [tilespmem:s11], [sflag:$0x1], $0x1, s18, s10, $0xb8;
	[tilespmem:$0x4580] =	vst v63  }
.Ltmp0:
0x4a: {  	_ = 	snop;
	(pc) =	sbr.rel @p0 .LBB2_2-.Ltmp0, $4  }
0x4b: {  	_ = 	snop  }
0x4c: {  	s17 =	sadd.s32 $0x200, s17  }
0x4d: {  	_ =	swait.ge [sflag:s9], $0x50  }
0x4e: {  	[sflag:s9] =	ssyncset.done $0x0  }
0x4f: {  	s16 =	sadd.s32 $0x1, s16  }
0x50: {  	[sflag:s9] =	ssyncadd.s32 $0xFFFFFFB0;
	p0 =	sne.s32 s16, s7  }
.Ltmp1:
0x51: {  	[bflag:$0x0] =	sbarrier.arrive $0xFFFF;
	(pc) =	sbr.rel @p0 .LBB2_1-.Ltmp1, $4  }
0x52: {  	[hbm:s6@s14], [sflag:s12] =	dma.strided [spmem:s13@s15], $0x50, s9, $0x10   }
0x53: {  	_ =	swait.ge [sflag:s9], $0x50  }
0x54: {  	[sflag:s9] =	ssyncset.done $0x0  }
0x55: {  	[sflag:s9] =	ssyncadd.s32 $0xFFFFFFB0  }
0x56: {  	_ =	sfence.sel $0x180000  }
0x57: {  	[bflag:$0x0] =	sbarrier.arrive $0xFFFF  }
0x58: {  	p0 =	sne.s32 s1, $0x0;
	_ =	strace $0x90000047  }
0x59: {  	s0 =	sadd.s32 @!p0 $0x100000, s0;
	[bflag:$0x2] =	sbarrier.arrive $0xFFFF  }
0x5a: {  	[sflag:s0] =	ssyncadd.tile.s32 @!p0 $0x1;
	_ =	shalt  }
.Lfunc_end2:
_tile_overlayer_lowered:
.L_overlay_start_2:
0x5b: {  	(tag) =	ssettag $0x2  }
0x5c: {  	s0 =	rddreg [dreg:$0x0];
	s2 =	stileid.u32  }
0x5d: {  	s1 =	rddreg [dreg:$0x1];
	p0 =	sne.s32 s2, $0x0  }
0x5e: {  	s3 =	rddreg [dreg:$0x2];
	[bflag:$0x3] =	sbarrier.arrive $0xFFFF;
	s2 =	simm.s32 @!p0 $0x1C01  }
0x5f: {  	[timem:s3], [sflag:s2] =	dma.local @!p0 [hbm:s0], s1  }
0x60: {  	s0 =	simm.s32 @!p0 $0x1  }
0x61: {  	_ =	swait.ge @!p0 [sflag:s0], s1  }
0x62: {  	s1 =	ssub.s32 @!p0 $0x0, s1;
	[sflag:s0] =	ssyncset.done @!p0 $0x0  }
0x63: {  	[sflag:s0] =	ssyncadd.s32 @!p0 s1  }
0x64: {  	[bflag:$0x3] =	sbarrier.arrive $0xFFFF  }
0x65: {  	_ =	shalt  }

// kernel: kernel.13.cloned.1.call-start
scs
__scs_entry_jumppad:
0x0: {  	(pc) =	sbr.rel $0x88, $3  }
0x1: {  	(tag) =	ssettag $0x0;
	lr =	simm.s32 $0x1  }
0x2: {  	[smem:$0x3F91] =	sst lr;
	_ =	strace $0xD0000000  }
0x3: {  	_ = 	snop  }
0x4: {  	_ = 	snop  }
0x5: {  	_ = 	snop  }
0x6: {  	_ = 	snop  }
0x7: {  	_ = 	snop  }
__scs_overlays_trampoline_lowered:
0x8: {  	[smem:$0x3FA0] =	sst s0  }
0x9: {  	[smem:$0x3FA1] =	sst s1  }
0xa: {  	[smem:$0x3FA2] =	sst s2  }
0xb: {  	[smem:$0x3FA3] =	sst s3  }
0xc: {  	[smem:$0x3FA4] =	sst s4  }
0xd: {  	[smem:$0x3FA5] =	sst s5  }
0xe: {  	[smem:$0x3FA6] =	sst s6  }
0xf: {  	[smem:$0x3FA7] =	sst s7  }
0x10: {  	[smem:$0x3FA8] =	sst s8  }
0x11: {  	[smem:$0x3FA9] =	sst s9;
	s0 =	simm.s32 @!p0 $0x0  }
0x12: {  	s1 =	sld [smem:$0x3F8F];
	s0 =	simm.s32 @p0 $0x1  }
0x13: {  	[smem:$0x3FAA] =	sst s0;
	s0 =	simm.s32 @!p1 $0x0  }
0x14: {  	s2 =	sld [smem:$0x3F8E];
	s0 =	simm.s32 @p1 $0x1  }
0x15: {  	[smem:$0x3FAB] =	sst s0;
	s0 =	simm.s32 @!p2 $0x0  }
0x16: {  	s3 =	sld [smem:$0x3FDB];
	s0 =	simm.s32 @p2 $0x1  }
0x17: {  	s4 =	simm.s32 $0x1BF5;
	[smem:$0x3FAD] =	sst s0  }
0x18: {  	s0 =	sld [smem:$0x3F90];
	_ =	swait.ge [sflag:s4], $0x0  }
0x19: {  	s7 =	sld [smem:$0x3F91]  }
0x1a: {  	s8 =	sadd.s32 $0xFFFFE003, lr  }
0x1b: {  	s9 =	sadd.s32 $0xFFFFFEF7, lr;
	s5 =	simm.s32 $0xFFFFFFFF;
	p2 =	slt.u32 s8, $0xFFFFF086  }
0x1c: {  	p1 =	slt.u32 s9, $0xF7A;
	s5 =	simm.s32 @!p2 $0x0  }
0x1d: {  	s5 =	simm.s32 @p1 $0x1;
	p0 =	seq.s32 s7, s2  }
0x1e: {  	s7 =	smul.u32 @!p0 $0xF7A, s2;
	p2 =	seq.s32 @!p0 s5, $0x0  }
0x1f: {  	s9 =	smul.u32 $0xF7A, s1;
	s8 =	simm.s32 @!p0 $0x1BF5;
	p2 =	por !p2, p0  }
0x20: {  	[sflag:s8] =	ssyncset.s32 @!p0 $0xFFFFF086;
	s6 =	sadd.s32 @!p0 s3, s7;
	s7 =	simm.s32 @!p0 $0x108  }
0x21: {  	s3 =	sadd.s32 s3, s9;
	s6 =	sadd.s32 @!p0 $0x88, s6;
	s7 =	simm.s32 @p2 $0x1082  }
0x22: {  	[simem:s7], [sflag:s8] =	dma.local @!p0 [hbm:s6], $0xF7A  }
0x23: {  	s9 =	sor.u32 $0xD0000000, s2;
	s6 =	simm.s32 $0x108;
	_ =	swait.ge @!p0 [sflag:s8], $0x0  }
0x24: {  	s3 =	sadd.s32 $0x88, s3;
	s6 =	simm.s32 @!p1 $0x1082;
	[sflag:s4] =	ssyncset.s32 $0xFFFFF086  }
0x25: {  	[simem:s6], [sflag:s4] =	dma.local [hbm:s3], $0xF7A  }
0x26: {  	[smem:$0x3F91] =	sst s1;
	(tag) =	ssettag s2;
	_ =	strace s9  }
0x27: {  	s1 =	sld [smem:$0x3FA1]  }
0x28: {  	s2 =	sld [smem:$0x3FA2]  }
0x29: {  	s4 =	sld [smem:$0x3FA4]  }
0x2a: {  	p0 =	seq.s32 s5, $0x0;
	s5 =	sld [smem:$0x3FA5]  }
0x2b: {  	s6 =	sld [smem:$0x3FA6]  }
0x2c: {  	s7 =	sld [smem:$0x3FA7]  }
0x2d: {  	s3 =	simm.s32 $0x108;
	s8 =	sld [smem:$0x3FA8]  }
0x2e: {  	s3 =	simm.s32 @!p0 $0x1082;
	s9 =	sld [smem:$0x3FA9]  }
0x2f: {  	lr =	sadd.s32 s0, s3;
	s0 =	sld [smem:$0x3FA0]  }
0x30: {  	s3 =	sld [smem:$0x3FA3]  }
0x31: {  	[smem:$0x3FAC] =	sst s10  }
0x32: {  	s10 =	sld [smem:$0x3FAA];
	_ =	sdelay $0x3  }
0x33: {  	p0 =	seq.s32 s10, $0x1;
	s10 =	sld [smem:$0x3FAC];
	_ =	sdelay $0x3  }
0x34: {  	[smem:$0x3FAC] =	sst s10  }
0x35: {  	s10 =	sld [smem:$0x3FAB];
	_ =	sdelay $0x3  }
0x36: {  	p1 =	seq.s32 s10, $0x1;
	s10 =	sld [smem:$0x3FAC];
	_ =	sdelay $0x3  }
0x37: {  	[smem:$0x3FAC] =	sst s10  }
0x38: {  	s10 =	sld [smem:$0x3FAD]  }
0x39: {  	_ = 	snop;
	(pc) =	sbr.ind lr, $3  }
0x3a: {  	_ = 	snop  }
0x3b: {  	_ = 	snop  }
0x3c: {  	p2 =	seq.s32 s10, $0x1;
	s10 =	sld [smem:$0x3FAC]  }
0x3d: {  	_ =	shalt  }
0x3e: {  	_ =	shalt  }
0x3f: {  	_ =	shalt  }
0x40: {  	_ =	shalt  }
0x41: {  	_ =	shalt  }
0x42: {  	_ =	shalt  }
0x43: {  	_ =	shalt  }
0x44: {  	_ =	shalt  }
0x45: {  	_ =	shalt  }
0x46: {  	_ =	shalt  }
0x47: {  	_ =	shalt  }
0x48: {  	_ =	shalt  }
0x49: {  	_ =	shalt  }
0x4a: {  	_ =	shalt  }
0x4b: {  	_ =	shalt  }
0x4c: {  	_ =	shalt  }
0x4d: {  	_ =	shalt  }
0x4e: {  	_ =	shalt  }
0x4f: {  	_ =	shalt  }
0x50: {  	_ =	shalt  }
0x51: {  	_ =	shalt  }
0x52: {  	_ =	shalt  }
0x53: {  	_ =	shalt  }
0x54: {  	_ =	shalt  }
0x55: {  	_ =	shalt  }
0x56: {  	_ =	shalt  }
0x57: {  	_ =	shalt  }
0x58: {  	_ =	shalt  }
0x59: {  	_ =	shalt  }
0x5a: {  	_ =	shalt  }
0x5b: {  	_ =	shalt  }
0x5c: {  	_ =	shalt  }
0x5d: {  	_ =	shalt  }
0x5e: {  	_ =	shalt  }
0x5f: {  	_ =	shalt  }
0x60: {  	_ =	shalt  }
0x61: {  	_ =	shalt  }
0x62: {  	_ =	shalt  }
0x63: {  	_ =	shalt  }
0x64: {  	_ =	shalt  }
0x65: {  	_ =	shalt  }
0x66: {  	_ =	shalt  }
0x67: {  	_ =	shalt  }
0x68: {  	_ =	shalt  }
0x69: {  	_ =	shalt  }
0x6a: {  	_ =	shalt  }
0x6b: {  	_ =	shalt  }
0x6c: {  	_ =	shalt  }
0x6d: {  	_ =	shalt  }
0x6e: {  	_ =	shalt  }
0x6f: {  	_ =	shalt  }
0x70: {  	_ =	shalt  }
0x71: {  	_ =	shalt  }
0x72: {  	_ =	shalt  }
0x73: {  	_ =	shalt  }
0x74: {  	_ =	shalt  }
0x75: {  	_ =	shalt  }
0x76: {  	_ =	shalt  }
0x77: {  	_ =	shalt  }
0x78: {  	_ =	shalt  }
0x79: {  	_ =	shalt  }
0x7a: {  	_ =	shalt  }
0x7b: {  	_ =	shalt  }
0x7c: {  	_ =	shalt  }
0x7d: {  	_ =	shalt  }
0x7e: {  	_ =	shalt  }
0x7f: {  	_ =	shalt  }
0x80: {  	_ =	shalt  }
0x81: {  	_ =	shalt  }
0x82: {  	_ =	shalt  }
0x83: {  	_ =	shalt  }
0x84: {  	_ =	shalt  }
0x85: {  	_ =	shalt  }
0x86: {  	_ =	shalt  }
0x87: {  	_ =	shalt  }
.Lfunc_end0:
.L_simem_size_0:
called_computation.1_lowered:
.L_overlay_start_0:
0x88: {  	s2 =	sld [smem:$0x3FD9]  }
0x89: {  	s3 =	sld [smem:$0x3FFE];
	_ =	sdelay $0x1  }
0x8a: {  	s1 =	srdreg.scid  }
0x8b: {  	s0 =	sand.u32 $0x1, s1  }
0x8c: {  	s16 =	sshll.u32 s0, $0xA;
	s2 =	sadd.s32 s3, s2  }
0x8d: {  	s2 =	sadd.s32 s2, s16  }
0x8e: {  	[smem:$0x3FB8] =	sst s2  }
0x8f: {  	_ = 	snop  }
0x90: {  	(tm) =	ssettm $0x1  }
0x91: {  	s17 =	sld [smem:$0x3FFB];
	_ =	sdelay $0x3  }
0x92: {  	_ =	strace s17  }
0x93: {  	s2 =	sld [smem:$0x3FFC];
	_ =	sdelay $0x3  }
0x94: {  	_ =	strace s2  }
0x95: {  	s2 =	sld [smem:$0x3FFD];
	_ =	sdelay $0x3  }
0x96: {  	_ =	strace s2  }
0x97: {  	_ =	strace $0x8FFFFFFF  }
0x98: {  	s18 =	sld [smem:$0x3FDB];
	_ =	sdelay $0x1  }
0x99: {  	s19 =	simm.s32 $_scs_section_size  }
0x9a: {  	s4 =	simm.s32 $_size__tile_overlayer_lowered;
	s5 =	simm.s32 $_tile_overlayer_lowered  }
0x9b: {  	s22 =	simm.s32 $0x1BFF;
	s21 =	sshll.u32 s5, $0x1;
	s2 =	sadd.s32 s19, s18  }
0x9c: {  	s6 =	simm.s32 $0x0;
	s20 =	sshll.u32 s4, $0x1;
	s4 =	sadd.s32 s21, s2  }
0x9d: {  	[timem:s6], [sflag:s22] =	dma.local [hbm:s4], s20  }
0x9e: {  	_ =	swait.ge [sflag:s22], s20  }
0x9f: {  	s3 =	ssub.s32 $0x0, s20;
	[sflag:s22] =	ssyncset.done $0x0  }
0xa0: {  	[sflag:s22] =	ssyncadd.s32 s3;
	_ =	sdelay $0x1  }
0xa1: {  	s23 =	simm.s32 $0x1B8B  }
0xa2: {  	_ =	swait.ge [sflag:s23], $0x1  }
0xa3: {  	[sflag:s23] =	ssyncset.done $0x0  }
0xa4: {  	s25 =	simm.s32 $0x1B8E;
	s24 =	sld [smem:$0x3FFE];
	[sflag:s23] =	ssyncadd.s32 $0xFFFFFFFF  }
0xa5: {  	s26 =	simm.s32 $execute0_lowered;
	[smem:$0x3FD2] =	sst s25  }
0xa6: {  	s4 =	sshll.u32 s26, $0x1;
	_ =	strace $0x80000049;
	[dreg:$0x1] =	wrdreg $0xFFFFFFFF  }
0xa7: {  	s28 =	simm.s32 $_size_execute0_lowered;
	s2 =	sadd.s32 s2, s4;
	[dreg:$0x0] =	wrdreg $0x0  }
0xa8: {  	s4 =	sshll.u32 s28, $0x1;
	[dreg:$0x2] =	wrdreg s2  }
0xa9: {  	[dreg:$0x3] =	wrdreg s4  }
0xaa: {  	[dreg:$0x4] =	wrdreg $0xC0  }
0xab: {  	_ =	task [dreg:s6], $0x5FFFF  }
0xac: {  	[dreg:$0x1] =	wrdreg $0xFFFFFFFF  }
0xad: {  	[dreg:$0x0] =	wrdreg $0x60  }
0xae: {  	[dreg:$0x2] =	wrdreg s24  }
0xaf: {  	[dreg:$0x3] =	wrdreg $0x81600  }
0xb0: {  	[dreg:$0x4] =	wrdreg $0x9  }
0xb1: {  	_ =	task.clear_ibuf [dreg:s6], $0x5FFFF;
	_ =	strace $0x90000049  }
0xb2: {  	s29 =	simm.s32 $0x9;
	_ =	strace $0x8000004B  }
0xb3: {  	_ =	swait.ge [sflag:s29], $0x1  }
0xb4: {  	[sflag:s29] =	ssyncadd.s32 $0xFFFFFFFF  }
0xb5: {  	_ =	strace $0x9000004B  }
0xb6: {  	_ =	sfence  }
0xb7: {  	s30 =	sld [smem:$0x0];
	_ =	sdelay $0x2  }
0xb8: {  	s31 =	sshll.u32 s1, $0xD;
	s1 =	sshrl.u32 s1, $0x2  }
0xb9: {  	s3 =	sand.u32 $0x4000, s31;
	s1 =	sadd.s32 s1, s30  }
0xba: {  	s0 =	sor.u32 s3, s0;
	s1 =	sshll.u32 s1, $0x11  }
0xbb: {  	s0 =	sor.u32 s1, s0  }
0xbc: {  	s0 =	sadd.s32 $0x8F2B, s0  }
0xbd: {  	[sflag:s0] =	ssyncadd.remote.s32 $0x1  }
0xbe: {  	_ =	sfence.sel $0xFFFF  }
0xbf: {  	[dreg:$0x0] =	wrdreg $0xFFFFFFFF;
	(pc) =	sbr.abs _section_cstart, $3  }
0xc0: {  	[dreg:$0x1] =	wrdreg $0xFFFFFFFF  }
0xc1: {  	_ =	task.clear_ibuf [dreg:s6], $0x2FFFF;
	_ =	strace $0x9FFFFFFF  }
0xc2: {  	(tm) =	ssettm $0x7FFFFFFF  }
0xc3: {  	_ =	shalt  }
tec
execute0_lowered:
.L_overlay_start_1:
0x0: {  	(tag) =	ssettag $0x1  }
0x1: {  	s1 =	rddreg [dreg:$0x0]  }
0x2: {  	s0 =	srdreg.scid;
	s2 =	rddreg [dreg:$0x1]  }
0x3: {  	s10 =	stileid.u32;
	s3 =	simm.s32 $0x0;
	s28 =	simm.s32 $0x6220  }
0x4: {  	s29 =	simm.s32 $0x50;
	s30 =	simm.s32 $0x4E20;
	s31 =	simm.s32 $0x1  }
0x5: {  	s0 =	sand.u32 $0x1, s0;
	[smem:$0x7FF] =	sst s3;
	s5 =	sadd.s32 $0x3D800, s1  }
0x6: {  	s8 =	smul.u32 $0x9C40, s10;
	s4 =	sshll.u32 s0, $0x4;
	_ =	strace $0x8000004A  }
0x7: {  	s7 =	smul.u32 $0x138800, s0;
	s0 =	ssub.s32 $0x2, s0;
	s4 =	sor.u32 s10, s4  }
0x8: {  	s9 =	sshrl.u32 s0, $0x1;
	s10 =	smul.u32 $0x27100, s10;
	s24 =	sadd.s32 $0x1F40, s8  }
0x9: {  	s25 =	sadd.s32 $0x3E80, s8;
	s26 =	sadd.s32 $0x5DC0, s8;
	s15 =	sadd.s32 $0x7D00, s8  }
0xa: {  	s6 =	smul.u32 $0x4E2, s4;
	s4 =	sadd.s32 $0x51200, s1;
	s14 =	sadd.s32 $0x9C400, s7  }
0xb: {  	s0 =	ssub.s32 s0, s9;
	s11 =	sadd.s32 s24, s2;
	s12 =	sadd.s32 s25, s2  }
0xc: {  	s13 =	sadd.s32 s26, s2;
	s16 =	sadd.s32 s7, s8;
	s17 =	sadd.s32 s7, s24  }
0xd: {  	s18 =	sadd.s32 s7, s25;
	s19 =	sadd.s32 s7, s26;
	s7 =	sadd.s32 s7, s15  }
0xe: {  	s21 =	sadd.s32 s8, s14;
	s23 =	sshrl.u32 s10, $0x2;
	s0 =	smax.u32 s0, $0x1  }
0xf: {  	s9 =	sadd.s32 s26, s14;
	s16 =	sshrl.u32 s16, $0x3;
	s18 =	sshrl.u32 s18, $0x3  }
0x10: {  	s8 =	sadd.s32 s8, s2;
	s7 =	sshrl.u32 s7, $0x3;
	s6 =	sadd.s32 s6, s1  }
0x11: {  	s1 =	sadd.s32 $0x64C00, s1;
	s22 =	sshrl.u32 s21, $0x3;
	[dreg:$0x6] =	wrdreg s0  }
0x12: {  	s10 =	sadd.s32 s23, s2;
	s0 =	sadd.s32 s24, s14;
	[dreg:$0x8] =	wrdreg s8  }
0x13: {  	s23 =	sshrl.u32 s19, $0x3;
	s20 =	sadd.s32 $0x2A00, s6;
	s6 =	sadd.s32 $0xC800, s6  }
0x14: {  	s18 =	sadd.s32 s1, s18;
	s0 =	sshrl.u32 s0, $0x3;
	[dreg:$0x3] =	wrdreg s20  }
0x15: {  	s19 =	sadd.s32 s1, s23;
	[dreg:$0x4] =	wrdreg s6;
	s6 =	sadd.s32 s1, s22  }
0x16: {  	s22 =	sadd.s32 s15, s14;
	s20 =	sshrl.u32 s17, $0x3;
	[dreg:$0x5] =	wrdreg s6  }
0x17: {  	s6 =	sadd.s32 s25, s14;
	s14 =	sadd.s32 s15, s2;
	s15 =	sadd.s32 s1, s16  }
0x18: {  	s21 =	sadd.s32 s1, s20;
	s20 =	sadd.s32 s1, s7;
	[dreg:$0x7] =	wrdreg s15  }
0x19: {  	s25 =	sshrl.u32 s9, $0x3;
	s26 =	sshrl.u32 s22, $0x3;
	[dreg:$0x9] =	wrdreg s21  }
0x1a: {  	s21 =	sadd.s32 s1, s0;
	s24 =	sshrl.u32 s6, $0x3;
	s23 =	sadd.s32 s1, s25  }
0x1b: {  	v0 =	vimm.f32 $0.0e+00;
	s25 =	simm.s32 $0x2;
	s22 =	sadd.s32 s1, s24;
	s24 =	sadd.s32 s1, s26  }
.LBB2_1:
0x1c: {  	s1 =	simm.s32 $0x100;
	s0 =	simm.s32 $0x0  }
.LBB2_2:
0x1d: {  	p0 =	sne.s32 s1, $0x7C00;
	[tilespmem:s0+$0x6250] =	vst v0;
	s6 =	smov.u32 s1;
	s1 =	sadd.s32 $0x100, s1  }
.Ltmp0:
0x1e: {  	[tilespmem:s0+$0x6240] =	vst v0;
	(pc) =	sbr.rel @p0 .LBB2_2-.Ltmp0, $3  }
0x1f: {  	[tilespmem:s0+$0x6220] =	vst v0  }
0x20: {  	[tilespmem:s0+$0x6230] =	vst v0;
	_ =	sdelay $0x1  }
0x21: {  	s0 =	sshra.s32 s6, $0x2  }
0x22: {  	[tilespmem:s0+$0x6250] =	vst v0  }
0x23: {  	[tilespmem:s0+$0x6240] =	vst v0  }
0x24: {  	[tilespmem:s0+$0x6220] =	vst v0  }
0x25: {  	[tilespmem:s0+$0x6230] =	vst v0;
	s15 =	simm.s32 $0x0;
	s1 =	rddreg [dreg:$0x3]  }
0x26: {  	[tilespmem:s15], [sflag:$0x2] =	stream.linear.gather [hbm4b:s1+s15], $0x2710, $0x38;
	[tilespmem:$0x11DA0] =	vst v63  }
0x27: {  	_ =	swait.ge [sflag:s25], $0x2710  }
0x28: {  	[sflag:s25] =	ssyncset.done $0x0  }
0x29: {  	s6 =	simm.s32 $0x2710;
	s16 =	rddreg [dreg:$0x4];
	[sflag:s25] =	ssyncadd.s32 $0xFFFFD8F0  }
0x2a: {  	[tilespmem:s6], [sflag:$0x2] =	stream.linear.gather [hbm4b:s16+s15], $0x2710, $0x38;
	[tilespmem:$0x11DA0] =	vst v63  }
0x2b: {  	_ =	swait.ge [sflag:s25], $0x2710  }
0x2c: {  	[sflag:s25] =	ssyncset.done $0x0  }
0x2d: {  	[sflag:s25] =	ssyncadd.s32 $0xFFFFD8F0  }
0x2e: {  	[spmem:s10] =	stream.linear.scatter [tilespmem:s28], [sflag:$0x2], $0x1F40, $0x38;
	[tilespmem:$0x11DA0] =	vst v63  }
0x2f: {  	_ =	swait.ge [sflag:s25], $0x1F40  }
0x30: {  	[sflag:s25] =	ssyncset.done $0x0  }
0x31: {  	[sflag:s25] =	ssyncadd.s32 $0xFFFFE0C0  }
0x32: {  	[spmem:s11] =	stream.linear.scatter [tilespmem:s28], [sflag:$0x2], $0x1F40, $0x38;
	[tilespmem:$0x11DA0] =	vst v63  }
0x33: {  	_ =	swait.ge [sflag:s25], $0x1F40  }
0x34: {  	[sflag:s25] =	ssyncset.done $0x0  }
0x35: {  	[sflag:s25] =	ssyncadd.s32 $0xFFFFE0C0  }
0x36: {  	[spmem:s12] =	stream.linear.scatter [tilespmem:s28], [sflag:$0x2], $0x1F40, $0x38;
	[tilespmem:$0x11DA0] =	vst v63  }
0x37: {  	_ =	swait.ge [sflag:s25], $0x1F40  }
0x38: {  	[sflag:s25] =	ssyncset.done $0x0  }
0x39: {  	[sflag:s25] =	ssyncadd.s32 $0xFFFFE0C0  }
0x3a: {  	[spmem:s13] =	stream.linear.scatter [tilespmem:s28], [sflag:$0x2], $0x1F40, $0x38;
	[tilespmem:$0x11DA0] =	vst v63  }
0x3b: {  	_ =	swait.ge [sflag:s25], $0x1F40  }
0x3c: {  	[sflag:s25] =	ssyncset.done $0x0  }
0x3d: {  	[sflag:s25] =	ssyncadd.s32 $0xFFFFE0C0  }
0x3e: {  	[spmem:s14] =	stream.linear.scatter [tilespmem:s28], [sflag:$0x2], $0x1F40, $0x38;
	[tilespmem:$0x11DA0] =	vst v63  }
0x3f: {  	_ =	swait.ge [sflag:s25], $0x1F40  }
0x40: {  	[sflag:s25] =	ssyncset.done $0x0  }
0x41: {  	[sflag:s25] =	ssyncadd.s32 $0xFFFFE0C0  }
0x42: {  	s17 =	simm.s32 $0x0;
	[bflag:$0x0] =	sbarrier.arrive $0xFFFF  }
0x43: {  	[tilespmem:s30], [sflag:$0x1] =	stream.indirect.gather [hbm4b:s4+s29], $0x40, s17, s29, $0xb8;
	[tilespmem:$0x11DA0] =	vst v63  }
0x44: {  	_ =	swait.ge [sflag:s31], $0x1400  }
0x45: {  	[sflag:s31] =	ssyncset.done $0x0  }
0x46: {  	s26 =	simm.s32 $0x2710;
	[sflag:s31] =	ssyncadd.s32 $0xFFFFEC00  }
0x47: {  	[spmem:s2] =	stream.indirect.scatter.add.f32 [tilespmem:s30], [sflag:$0x2], $0x40, s26, s29, $0xb8;
	[tilespmem:$0x11DA0] =	vst v63  }
0x48: {  	_ =	swait.ge [sflag:s25], $0x1400  }
0x49: {  	s0 =	simm.s32 $0x140;
	s1 =	simm.s32 $0x280;
	[sflag:s25] =	ssyncset.done $0x0  }
.LBB2_4:
0x4a: {  	s6 =	sshra.s32 s0, $0x2  }
0x4b: {  	[sflag:s25] =	ssyncadd.s32 $0xFFFFEC00;
	s0 =	smov.u32 s1;
	s7 =	sadd.s32 $0x140, s1  }
0x4c: {  	[tilespmem:s30], [sflag:$0x1] =	stream.indirect.gather [hbm4b:s4+s29], $0x40, s6, s29, $0xb8;
	[tilespmem:$0x11DA0] =	vst v63  }
0x4d: {  	p0 =	sne.s32 s1, $0x9B00;
	_ =	swait.ge [sflag:s31], $0x1400  }
.Ltmp1:
0x4e: {  	[sflag:s31] =	ssyncset.done $0x0;
	(pc) =	sbr.rel @p0 .LBB2_4-.Ltmp1, $4  }
0x4f: {  	s1 =	sadd.s32 $0x2710, s6;
	[sflag:s31] =	ssyncadd.s32 $0xFFFFEC00  }
0x50: {  	[spmem:s2] =	stream.indirect.scatter.add.f32 [tilespmem:s30], [sflag:$0x2], $0x40, s1, s29, $0xb8;
	[tilespmem:$0x11DA0] =	vst v63  }
0x51: {  	_ =	swait.ge [sflag:s25], $0x1400  }
0x52: {  	s1 =	smov.u32 s7;
	[sflag:s25] =	ssyncset.done $0x0  }
0x53: {  	s0 =	sshra.s32 s0, $0x2;
	[sflag:s25] =	ssyncadd.s32 $0xFFFFEC00  }
0x54: {  	[tilespmem:s30], [sflag:$0x1] =	stream.indirect.gather [hbm4b:s4+s29], $0x40, s0, s29, $0xb8;
	[tilespmem:$0x11DA0] =	vst v63  }
0x55: {  	_ =	swait.ge [sflag:s31], $0x1400  }
0x56: {  	[sflag:s31] =	ssyncset.done $0x0  }
0x57: {  	s0 =	sadd.s32 $0x2710, s0;
	[sflag:s31] =	ssyncadd.s32 $0xFFFFEC00  }
0x58: {  	[spmem:s2] =	stream.indirect.scatter.add.f32 [tilespmem:s30], [sflag:$0x2], $0x40, s0, s29, $0xb8;
	[tilespmem:$0x11DA0] =	vst v63  }
0x59: {  	_ =	swait.ge [sflag:s25], $0x1400  }
0x5a: {  	[sflag:s25] =	ssyncset.done $0x0  }
0x5b: {  	[sflag:s25] =	ssyncadd.s32 $0xFFFFEC00  }
0x5c: {  	s15 =	stileid.u32;
	[bflag:$0x0] =	sbarrier.arrive $0xFFFF  }
0x5d: {  	s0 =	sshll.u32 s15, $0x6;
	s1 =	rddreg [dreg:$0x8]  }
0x5e: {  	s0 =	sor.u32 $0x1C02, s0;
	s6 =	rddreg [dreg:$0x7];
	s1 =	sshrl.u32 s1, $0x3  }
0x5f: {  	[hbm:s6], [sflag:s0] =	dma.local [spmem:s1], $0x3E8  }
0x60: {  	_ =	swait.ge [sflag:s25], $0x3E8  }
0x61: {  	[sflag:s25] =	ssyncset.done $0x0  }
0x62: {  	s26 =	sshrl.u32 s11, $0x3;
	s16 =	rddreg [dreg:$0x9];
	[sflag:s25] =	ssyncadd.s32 $0xFFFFFC18  }
0x63: {  	[hbm:s16], [sflag:s0] =	dma.local [spmem:s26], $0x3E8  }
0x64: {  	_ =	swait.ge [sflag:s25], $0x3E8  }
0x65: {  	[sflag:s25] =	ssyncset.done $0x0  }
0x66: {  	s6 =	sshrl.u32 s12, $0x3;
	[sflag:s25] =	ssyncadd.s32 $0xFFFFFC18  }
0x67: {  	[hbm:s18], [sflag:s0] =	dma.local [spmem:s6], $0x3E8  }
0x68: {  	_ =	swait.ge [sflag:s25], $0x3E8  }
0x69: {  	[sflag:s25] =	ssyncset.done $0x0  }
0x6a: {  	s7 =	sshrl.u32 s13, $0x3;
	[sflag:s25] =	ssyncadd.s32 $0xFFFFFC18  }
0x6b: {  	[hbm:s19], [sflag:s0] =	dma.local [spmem:s7], $0x3E8  }
0x6c: {  	_ =	swait.ge [sflag:s25], $0x3E8  }
0x6d: {  	[sflag:s25] =	ssyncset.done $0x0  }
0x6e: {  	s8 =	sshrl.u32 s14, $0x3;
	[sflag:s25] =	ssyncadd.s32 $0xFFFFFC18  }
0x6f: {  	[hbm:s20], [sflag:s0] =	dma.local [spmem:s8], $0x3E8  }
0x70: {  	_ =	swait.ge [sflag:s25], $0x3E8  }
0x71: {  	[sflag:s25] =	ssyncset.done $0x0  }
0x72: {  	[sflag:s25] =	ssyncadd.s32 $0xFFFFFC18  }
0x73: {  	[spmem:s10] =	stream.linear.scatter [tilespmem:s28], [sflag:$0x2], $0x1F40, $0x38;
	[tilespmem:$0x11DA0] =	vst v63  }
0x74: {  	_ =	swait.ge [sflag:s25], $0x1F40  }
0x75: {  	[sflag:s25] =	ssyncset.done $0x0  }
0x76: {  	[sflag:s25] =	ssyncadd.s32 $0xFFFFE0C0  }
0x77: {  	[spmem:s11] =	stream.linear.scatter [tilespmem:s28], [sflag:$0x2], $0x1F40, $0x38;
	[tilespmem:$0x11DA0] =	vst v63  }
0x78: {  	_ =	swait.ge [sflag:s25], $0x1F40  }
0x79: {  	[sflag:s25] =	ssyncset.done $0x0  }
0x7a: {  	[sflag:s25] =	ssyncadd.s32 $0xFFFFE0C0  }
0x7b: {  	[spmem:s12] =	stream.linear.scatter [tilespmem:s28], [sflag:$0x2], $0x1F40, $0x38;
	[tilespmem:$0x11DA0] =	vst v63  }
0x7c: {  	_ =	swait.ge [sflag:s25], $0x1F40  }
0x7d: {  	[sflag:s25] =	ssyncset.done $0x0  }
0x7e: {  	[sflag:s25] =	ssyncadd.s32 $0xFFFFE0C0  }
0x7f: {  	[spmem:s13] =	stream.linear.scatter [tilespmem:s28], [sflag:$0x2], $0x1F40, $0x38;
	[tilespmem:$0x11DA0] =	vst v63  }
0x80: {  	_ =	swait.ge [sflag:s25], $0x1F40  }
0x81: {  	[sflag:s25] =	ssyncset.done $0x0  }
0x82: {  	[sflag:s25] =	ssyncadd.s32 $0xFFFFE0C0  }
0x83: {  	[spmem:s14] =	stream.linear.scatter [tilespmem:s28], [sflag:$0x2], $0x1F40, $0x38;
	[tilespmem:$0x11DA0] =	vst v63  }
0x84: {  	_ =	swait.ge [sflag:s25], $0x1F40  }
0x85: {  	[sflag:s25] =	ssyncset.done $0x0  }
0x86: {  	[sflag:s25] =	ssyncadd.s32 $0xFFFFE0C0  }
0x87: {  	s9 =	simm.s32 $0x0;
	[bflag:$0x0] =	sbarrier.arrive $0xFFFF  }
0x88: {  	[tilespmem:s30], [sflag:$0x1] =	stream.indirect.gather [hbm4b:s5+s29], $0x40, s9, s29, $0xb8;
	[tilespmem:$0x11DA0] =	vst v63  }
0x89: {  	_ =	swait.ge [sflag:s31], $0x1400  }
0x8a: {  	[sflag:s31] =	ssyncset.done $0x0  }
0x8b: {  	s17 =	simm.s32 $0x2710;
	[sflag:s31] =	ssyncadd.s32 $0xFFFFEC00  }
0x8c: {  	[spmem:s2] =	stream.indirect.scatter.add.f32 [tilespmem:s30], [sflag:$0x2], $0x40, s17, s29, $0xb8;
	[tilespmem:$0x11DA0] =	vst v63  }
0x8d: {  	_ =	swait.ge [sflag:s25], $0x1400  }
0x8e: {  	s15 =	simm.s32 $0x280;
	s9 =	simm.s32 $0x140;
	[sflag:s25] =	ssyncset.done $0x0  }
.LBB2_6:
0x8f: {  	s16 =	sshra.s32 s9, $0x2  }
0x90: {  	[sflag:s25] =	ssyncadd.s32 $0xFFFFEC00;
	s9 =	smov.u32 s15;
	s17 =	sadd.s32 $0x140, s15  }
0x91: {  	[tilespmem:s30], [sflag:$0x1] =	stream.indirect.gather [hbm4b:s5+s29], $0x40, s16, s29, $0xb8;
	[tilespmem:$0x11DA0] =	vst v63  }
0x92: {  	p0 =	sne.s32 s15, $0x9B00;
	_ =	swait.ge [sflag:s31], $0x1400  }
.Ltmp2:
0x93: {  	[sflag:s31] =	ssyncset.done $0x0;
	(pc) =	sbr.rel @p0 .LBB2_6-.Ltmp2, $4  }
0x94: {  	s15 =	sadd.s32 $0x2710, s16;
	[sflag:s31] =	ssyncadd.s32 $0xFFFFEC00  }
0x95: {  	[spmem:s2] =	stream.indirect.scatter.add.f32 [tilespmem:s30], [sflag:$0x2], $0x40, s15, s29, $0xb8;
	[tilespmem:$0x11DA0] =	vst v63  }
0x96: {  	_ =	swait.ge [sflag:s25], $0x1400  }
0x97: {  	s15 =	smov.u32 s17;
	[sflag:s25] =	ssyncset.done $0x0  }
0x98: {  	s9 =	sshra.s32 s9, $0x2;
	[sflag:s25] =	ssyncadd.s32 $0xFFFFEC00  }
0x99: {  	[tilespmem:s30], [sflag:$0x1] =	stream.indirect.gather [hbm4b:s5+s29], $0x40, s9, s29, $0xb8;
	[tilespmem:$0x11DA0] =	vst v63  }
0x9a: {  	_ =	swait.ge [sflag:s31], $0x1400  }
0x9b: {  	[sflag:s31] =	ssyncset.done $0x0  }
0x9c: {  	s9 =	sadd.s32 $0x2710, s9;
	[sflag:s31] =	ssyncadd.s32 $0xFFFFEC00  }
0x9d: {  	[spmem:s2] =	stream.indirect.scatter.add.f32 [tilespmem:s30], [sflag:$0x2], $0x40, s9, s29, $0xb8;
	[tilespmem:$0x11DA0] =	vst v63  }
0x9e: {  	_ =	swait.ge [sflag:s25], $0x1400  }
0x9f: {  	[sflag:s25] =	ssyncset.done $0x0  }
0xa0: {  	[sflag:s25] =	ssyncadd.s32 $0xFFFFEC00  }
0xa1: {  	[bflag:$0x0] =	sbarrier.arrive $0xFFFF  }
0xa2: {  	s17 =	rddreg [dreg:$0x5]  }
0xa3: {  	[hbm:s17], [sflag:s0] =	dma.local [spmem:s1], $0x3E8  }
0xa4: {  	_ =	swait.ge [sflag:s25], $0x3E8  }
0xa5: {  	[sflag:s25] =	ssyncset.done $0x0  }
0xa6: {  	[sflag:s25] =	ssyncadd.s32 $0xFFFFFC18  }
0xa7: {  	[hbm:s21], [sflag:s0] =	dma.local [spmem:s26], $0x3E8  }
0xa8: {  	_ =	swait.ge [sflag:s25], $0x3E8  }
0xa9: {  	[sflag:s25] =	ssyncset.done $0x0  }
0xaa: {  	[sflag:s25] =	ssyncadd.s32 $0xFFFFFC18  }
0xab: {  	[hbm:s22], [sflag:s0] =	dma.local [spmem:s6], $0x3E8  }
0xac: {  	_ =	swait.ge [sflag:s25], $0x3E8  }
0xad: {  	[sflag:s25] =	ssyncset.done $0x0  }
0xae: {  	[sflag:s25] =	ssyncadd.s32 $0xFFFFFC18  }
0xaf: {  	[hbm:s23], [sflag:s0] =	dma.local [spmem:s7], $0x3E8  }
0xb0: {  	_ =	swait.ge [sflag:s25], $0x3E8  }
0xb1: {  	[sflag:s25] =	ssyncset.done $0x0  }
0xb2: {  	[sflag:s25] =	ssyncadd.s32 $0xFFFFFC18  }
0xb3: {  	[hbm:s24], [sflag:s0] =	dma.local [spmem:s8], $0x3E8  }
0xb4: {  	_ =	swait.ge [sflag:s25], $0x3E8  }
0xb5: {  	s3 =	sadd.s32 $0x1, s3;
	s26 =	rddreg [dreg:$0x6]  }
0xb6: {  	p0 =	sne.s32 s3, s26  }
.Ltmp3:
0xb7: {  	_ = 	snop;
	(pc) =	sbr.rel @p0 .LBB2_1-.Ltmp3, $3  }
0xb8: {  	_ =	sdelay $0x1  }
0xb9: {  	[sflag:s25] =	ssyncset.done $0x0  }
0xba: {  	[sflag:s25] =	ssyncadd.s32 $0xFFFFFC18  }
0xbb: {  	_ =	sfence.sel $0x180000  }
0xbc: {  	[bflag:$0x0] =	sbarrier.arrive $0xFFFF  }
0xbd: {  	_ =	strace $0x9000004A  }
0xbe: {  	s0 =	stileid.u32;
	[bflag:$0x2] =	sbarrier.arrive $0xFFFF  }
0xbf: {  	p0 =	sne.s32 s0, $0x0;
	s0 =	rddreg [dreg:$0x2]  }
0xc0: {  	s0 =	sadd.s32 @!p0 $0x100000, s0  }
0xc1: {  	[sflag:s0] =	ssyncadd.tile.s32 @!p0 $0x1;
	_ =	shalt  }
.Lfunc_end2:
_tile_overlayer_lowered:
.L_overlay_start_2:
0xc2: {  	(tag) =	ssettag $0x2  }
0xc3: {  	s0 =	rddreg [dreg:$0x0];
	s2 =	stileid.u32  }
0xc4: {  	s1 =	rddreg [dreg:$0x1];
	p0 =	sne.s32 s2, $0x0  }
0xc5: {  	s3 =	rddreg [dreg:$0x2];
	[bflag:$0x3] =	sbarrier.arrive $0xFFFF;
	s2 =	simm.s32 @!p0 $0x1C02  }
0xc6: {  	[timem:s3], [sflag:s2] =	dma.local @!p0 [hbm:s0], s1  }
0xc7: {  	s0 =	simm.s32 @!p0 $0x2  }
0xc8: {  	_ =	swait.ge @!p0 [sflag:s0], s1  }
0xc9: {  	s1 =	ssub.s32 @!p0 $0x0, s1;
	[sflag:s0] =	ssyncset.done @!p0 $0x0  }
0xca: {  	[sflag:s0] =	ssyncadd.s32 @!p0 s1  }
0xcb: {  	[bflag:$0x3] =	sbarrier.arrive $0xFFFF  }
0xcc: {  	_ =	shalt  }

// kernel: kernel.16.cloned.1.call-start
scs
__scs_entry_jumppad:
0x0: {  	(pc) =	sbr.rel $0x88, $3  }
0x1: {  	(tag) =	ssettag $0x0;
	lr =	simm.s32 $0x1  }
0x2: {  	[smem:$0x3F91] =	sst lr;
	_ =	strace $0xD0000000  }
0x3: {  	_ = 	snop  }
0x4: {  	_ = 	snop  }
0x5: {  	_ = 	snop  }
0x6: {  	_ = 	snop  }
0x7: {  	_ = 	snop  }
__scs_overlays_trampoline_lowered:
0x8: {  	[smem:$0x3FA0] =	sst s0  }
0x9: {  	[smem:$0x3FA1] =	sst s1  }
0xa: {  	[smem:$0x3FA2] =	sst s2  }
0xb: {  	[smem:$0x3FA3] =	sst s3  }
0xc: {  	[smem:$0x3FA4] =	sst s4  }
0xd: {  	[smem:$0x3FA5] =	sst s5  }
0xe: {  	[smem:$0x3FA6] =	sst s6  }
0xf: {  	[smem:$0x3FA7] =	sst s7  }
0x10: {  	[smem:$0x3FA8] =	sst s8  }
0x11: {  	[smem:$0x3FA9] =	sst s9;
	s0 =	simm.s32 @!p0 $0x0  }
0x12: {  	s1 =	sld [smem:$0x3F8F];
	s0 =	simm.s32 @p0 $0x1  }
0x13: {  	[smem:$0x3FAA] =	sst s0;
	s0 =	simm.s32 @!p1 $0x0  }
0x14: {  	s2 =	sld [smem:$0x3F8E];
	s0 =	simm.s32 @p1 $0x1  }
0x15: {  	[smem:$0x3FAB] =	sst s0;
	s0 =	simm.s32 @!p2 $0x0  }
0x16: {  	s3 =	sld [smem:$0x3FDB];
	s0 =	simm.s32 @p2 $0x1  }
0x17: {  	s4 =	simm.s32 $0x1BF5;
	[smem:$0x3FAD] =	sst s0  }
0x18: {  	s0 =	sld [smem:$0x3F90];
	_ =	swait.ge [sflag:s4], $0x0  }
0x19: {  	s7 =	sld [smem:$0x3F91]  }
0x1a: {  	s8 =	sadd.s32 $0xFFFFE003, lr  }
0x1b: {  	s9 =	sadd.s32 $0xFFFFFEF7, lr;
	s5 =	simm.s32 $0xFFFFFFFF;
	p2 =	slt.u32 s8, $0xFFFFF086  }
0x1c: {  	p1 =	slt.u32 s9, $0xF7A;
	s5 =	simm.s32 @!p2 $0x0  }
0x1d: {  	s5 =	simm.s32 @p1 $0x1;
	p0 =	seq.s32 s7, s2  }
0x1e: {  	s7 =	smul.u32 @!p0 $0xF7A, s2;
	p2 =	seq.s32 @!p0 s5, $0x0  }
0x1f: {  	s9 =	smul.u32 $0xF7A, s1;
	s8 =	simm.s32 @!p0 $0x1BF5;
	p2 =	por !p2, p0  }
0x20: {  	[sflag:s8] =	ssyncset.s32 @!p0 $0xFFFFF086;
	s6 =	sadd.s32 @!p0 s3, s7;
	s7 =	simm.s32 @!p0 $0x108  }
0x21: {  	s3 =	sadd.s32 s3, s9;
	s6 =	sadd.s32 @!p0 $0x88, s6;
	s7 =	simm.s32 @p2 $0x1082  }
0x22: {  	[simem:s7], [sflag:s8] =	dma.local @!p0 [hbm:s6], $0xF7A  }
0x23: {  	s9 =	sor.u32 $0xD0000000, s2;
	s6 =	simm.s32 $0x108;
	_ =	swait.ge @!p0 [sflag:s8], $0x0  }
0x24: {  	s3 =	sadd.s32 $0x88, s3;
	s6 =	simm.s32 @!p1 $0x1082;
	[sflag:s4] =	ssyncset.s32 $0xFFFFF086  }
0x25: {  	[simem:s6], [sflag:s4] =	dma.local [hbm:s3], $0xF7A  }
0x26: {  	[smem:$0x3F91] =	sst s1;
	(tag) =	ssettag s2;
	_ =	strace s9  }
0x27: {  	s1 =	sld [smem:$0x3FA1]  }
0x28: {  	s2 =	sld [smem:$0x3FA2]  }
0x29: {  	s4 =	sld [smem:$0x3FA4]  }
0x2a: {  	p0 =	seq.s32 s5, $0x0;
	s5 =	sld [smem:$0x3FA5]  }
0x2b: {  	s6 =	sld [smem:$0x3FA6]  }
0x2c: {  	s7 =	sld [smem:$0x3FA7]  }
0x2d: {  	s3 =	simm.s32 $0x108;
	s8 =	sld [smem:$0x3FA8]  }
0x2e: {  	s3 =	simm.s32 @!p0 $0x1082;
	s9 =	sld [smem:$0x3FA9]  }
0x2f: {  	lr =	sadd.s32 s0, s3;
	s0 =	sld [smem:$0x3FA0]  }
0x30: {  	s3 =	sld [smem:$0x3FA3]  }
0x31: {  	[smem:$0x3FAC] =	sst s10  }
0x32: {  	s10 =	sld [smem:$0x3FAA];
	_ =	sdelay $0x3  }
0x33: {  	p0 =	seq.s32 s10, $0x1;
	s10 =	sld [smem:$0x3FAC];
	_ =	sdelay $0x3  }
0x34: {  	[smem:$0x3FAC] =	sst s10  }
0x35: {  	s10 =	sld [smem:$0x3FAB];
	_ =	sdelay $0x3  }
0x36: {  	p1 =	seq.s32 s10, $0x1;
	s10 =	sld [smem:$0x3FAC];
	_ =	sdelay $0x3  }
0x37: {  	[smem:$0x3FAC] =	sst s10  }
0x38: {  	s10 =	sld [smem:$0x3FAD]  }
0x39: {  	_ = 	snop;
	(pc) =	sbr.ind lr, $3  }
0x3a: {  	_ = 	snop  }
0x3b: {  	_ = 	snop  }
0x3c: {  	p2 =	seq.s32 s10, $0x1;
	s10 =	sld [smem:$0x3FAC]  }
0x3d: {  	_ =	shalt  }
0x3e: {  	_ =	shalt  }
0x3f: {  	_ =	shalt  }
0x40: {  	_ =	shalt  }
0x41: {  	_ =	shalt  }
0x42: {  	_ =	shalt  }
0x43: {  	_ =	shalt  }
0x44: {  	_ =	shalt  }
0x45: {  	_ =	shalt  }
0x46: {  	_ =	shalt  }
0x47: {  	_ =	shalt  }
0x48: {  	_ =	shalt  }
0x49: {  	_ =	shalt  }
0x4a: {  	_ =	shalt  }
0x4b: {  	_ =	shalt  }
0x4c: {  	_ =	shalt  }
0x4d: {  	_ =	shalt  }
0x4e: {  	_ =	shalt  }
0x4f: {  	_ =	shalt  }
0x50: {  	_ =	shalt  }
0x51: {  	_ =	shalt  }
0x52: {  	_ =	shalt  }
0x53: {  	_ =	shalt  }
0x54: {  	_ =	shalt  }
0x55: {  	_ =	shalt  }
0x56: {  	_ =	shalt  }
0x57: {  	_ =	shalt  }
0x58: {  	_ =	shalt  }
0x59: {  	_ =	shalt  }
0x5a: {  	_ =	shalt  }
0x5b: {  	_ =	shalt  }
0x5c: {  	_ =	shalt  }
0x5d: {  	_ =	shalt  }
0x5e: {  	_ =	shalt  }
0x5f: {  	_ =	shalt  }
0x60: {  	_ =	shalt  }
0x61: {  	_ =	shalt  }
0x62: {  	_ =	shalt  }
0x63: {  	_ =	shalt  }
0x64: {  	_ =	shalt  }
0x65: {  	_ =	shalt  }
0x66: {  	_ =	shalt  }
0x67: {  	_ =	shalt  }
0x68: {  	_ =	shalt  }
0x69: {  	_ =	shalt  }
0x6a: {  	_ =	shalt  }
0x6b: {  	_ =	shalt  }
0x6c: {  	_ =	shalt  }
0x6d: {  	_ =	shalt  }
0x6e: {  	_ =	shalt  }
0x6f: {  	_ =	shalt  }
0x70: {  	_ =	shalt  }
0x71: {  	_ =	shalt  }
0x72: {  	_ =	shalt  }
0x73: {  	_ =	shalt  }
0x74: {  	_ =	shalt  }
0x75: {  	_ =	shalt  }
0x76: {  	_ =	shalt  }
0x77: {  	_ =	shalt  }
0x78: {  	_ =	shalt  }
0x79: {  	_ =	shalt  }
0x7a: {  	_ =	shalt  }
0x7b: {  	_ =	shalt  }
0x7c: {  	_ =	shalt  }
0x7d: {  	_ =	shalt  }
0x7e: {  	_ =	shalt  }
0x7f: {  	_ =	shalt  }
0x80: {  	_ =	shalt  }
0x81: {  	_ =	shalt  }
0x82: {  	_ =	shalt  }
0x83: {  	_ =	shalt  }
0x84: {  	_ =	shalt  }
0x85: {  	_ =	shalt  }
0x86: {  	_ =	shalt  }
0x87: {  	_ =	shalt  }
.Lfunc_end0:
.L_simem_size_0:
called_computation.2_lowered:
.L_overlay_start_0:
0x88: {  	s2 =	sld [smem:$0x3FD9]  }
0x89: {  	s3 =	sld [smem:$0x3FFE];
	_ =	sdelay $0x1  }
0x8a: {  	s1 =	srdreg.scid  }
0x8b: {  	s0 =	sand.u32 $0x1, s1  }
0x8c: {  	s16 =	sshll.u32 s0, $0xA;
	s2 =	sadd.s32 s3, s2  }
0x8d: {  	s2 =	sadd.s32 s2, s16  }
0x8e: {  	[smem:$0x3FB8] =	sst s2  }
0x8f: {  	_ = 	snop  }
0x90: {  	(tm) =	ssettm $0x1  }
0x91: {  	s17 =	sld [smem:$0x3FFB];
	_ =	sdelay $0x3  }
0x92: {  	_ =	strace s17  }
0x93: {  	s2 =	sld [smem:$0x3FFC];
	_ =	sdelay $0x3  }
0x94: {  	_ =	strace s2  }
0x95: {  	s2 =	sld [smem:$0x3FFD];
	_ =	sdelay $0x3  }
0x96: {  	_ =	strace s2  }
0x97: {  	_ =	strace $0x8FFFFFFF  }
0x98: {  	s18 =	sld [smem:$0x3FDB];
	_ =	sdelay $0x1  }
0x99: {  	s19 =	simm.s32 $_scs_section_size  }
0x9a: {  	s4 =	simm.s32 $_size__tile_overlayer_lowered;
	s5 =	simm.s32 $_tile_overlayer_lowered  }
0x9b: {  	s22 =	simm.s32 $0x1BFF;
	s21 =	sshll.u32 s5, $0x1;
	s2 =	sadd.s32 s19, s18  }
0x9c: {  	s6 =	simm.s32 $0x0;
	s20 =	sshll.u32 s4, $0x1;
	s4 =	sadd.s32 s21, s2  }
0x9d: {  	[timem:s6], [sflag:s22] =	dma.local [hbm:s4], s20  }
0x9e: {  	_ =	swait.ge [sflag:s22], s20  }
0x9f: {  	s3 =	ssub.s32 $0x0, s20;
	[sflag:s22] =	ssyncset.done $0x0  }
0xa0: {  	[sflag:s22] =	ssyncadd.s32 s3;
	_ =	sdelay $0x1  }
0xa1: {  	s23 =	simm.s32 $0x1B8B  }
0xa2: {  	_ =	swait.ge [sflag:s23], $0x1  }
0xa3: {  	[sflag:s23] =	ssyncset.done $0x0  }
0xa4: {  	s25 =	simm.s32 $0x1B8E;
	s24 =	sld [smem:$0x3FFE];
	[sflag:s23] =	ssyncadd.s32 $0xFFFFFFFF  }
0xa5: {  	s26 =	simm.s32 $execute0_lowered;
	[smem:$0x3FD2] =	sst s25  }
0xa6: {  	s4 =	sshll.u32 s26, $0x1;
	_ =	strace $0x8000004C;
	[dreg:$0x1] =	wrdreg $0xFFFFFFFF  }
0xa7: {  	s28 =	simm.s32 $_size_execute0_lowered;
	s2 =	sadd.s32 s2, s4;
	[dreg:$0x0] =	wrdreg $0x0  }
0xa8: {  	s4 =	sshll.u32 s28, $0x1;
	[dreg:$0x2] =	wrdreg s2  }
0xa9: {  	[dreg:$0x3] =	wrdreg s4  }
0xaa: {  	[dreg:$0x4] =	wrdreg $0xC0  }
0xab: {  	_ =	task [dreg:s6], $0x5FFFF  }
0xac: {  	[dreg:$0x1] =	wrdreg $0xFFFFFFFF  }
0xad: {  	[dreg:$0x0] =	wrdreg $0x60  }
0xae: {  	[dreg:$0x2] =	wrdreg s24  }
0xaf: {  	[dreg:$0x3] =	wrdreg $0x81600  }
0xb0: {  	[dreg:$0x4] =	wrdreg $0x9  }
0xb1: {  	_ =	task.clear_ibuf [dreg:s6], $0x5FFFF;
	_ =	strace $0x9000004C  }
0xb2: {  	s29 =	simm.s32 $0x9;
	_ =	strace $0x8000004E  }
0xb3: {  	_ =	swait.ge [sflag:s29], $0x1  }
0xb4: {  	[sflag:s29] =	ssyncadd.s32 $0xFFFFFFFF  }
0xb5: {  	_ =	strace $0x9000004E  }
0xb6: {  	_ =	sfence  }
0xb7: {  	s30 =	sld [smem:$0x0];
	_ =	sdelay $0x2  }
0xb8: {  	s31 =	sshll.u32 s1, $0xD;
	s1 =	sshrl.u32 s1, $0x2  }
0xb9: {  	s3 =	sand.u32 $0x4000, s31;
	s1 =	sadd.s32 s1, s30  }
0xba: {  	s0 =	sor.u32 s3, s0;
	s1 =	sshll.u32 s1, $0x11  }
0xbb: {  	s0 =	sor.u32 s1, s0  }
0xbc: {  	s0 =	sadd.s32 $0x8F2B, s0  }
0xbd: {  	[sflag:s0] =	ssyncadd.remote.s32 $0x1  }
0xbe: {  	_ =	sfence.sel $0xFFFF  }
0xbf: {  	[dreg:$0x0] =	wrdreg $0xFFFFFFFF;
	(pc) =	sbr.abs _section_cstart, $3  }
0xc0: {  	[dreg:$0x1] =	wrdreg $0xFFFFFFFF  }
0xc1: {  	_ =	task.clear_ibuf [dreg:s6], $0x2FFFF;
	_ =	strace $0x9FFFFFFF  }
0xc2: {  	(tm) =	ssettm $0x7FFFFFFF  }
0xc3: {  	_ =	shalt  }
tec
execute0_lowered:
.L_overlay_start_1:
0x0: {  	(tag) =	ssettag $0x1  }
0x1: {  	s1 =	rddreg [dreg:$0x0]  }
0x2: {  	s0 =	srdreg.scid;
	s2 =	rddreg [dreg:$0x1]  }
0x3: {  	s10 =	stileid.u32;
	s3 =	simm.s32 $0x0;
	s28 =	simm.s32 $0x6220  }
0x4: {  	s29 =	simm.s32 $0x50;
	s30 =	simm.s32 $0x4E20;
	s31 =	simm.s32 $0x1  }
0x5: {  	s0 =	sand.u32 $0x1, s0;
	[smem:$0x7FF] =	sst s3;
	s5 =	sadd.s32 $0x3D800, s1  }
0x6: {  	s8 =	smul.u32 $0x9C40, s10;
	s4 =	sshll.u32 s0, $0x4;
	_ =	strace $0x8000004D  }
0x7: {  	s7 =	smul.u32 $0x138800, s0;
	s0 =	ssub.s32 $0x2, s0;
	s4 =	sor.u32 s10, s4  }
0x8: {  	s9 =	sshrl.u32 s0, $0x1;
	s10 =	smul.u32 $0x27100, s10;
	s24 =	sadd.s32 $0x1F40, s8  }
0x9: {  	s25 =	sadd.s32 $0x3E80, s8;
	s26 =	sadd.s32 $0x5DC0, s8;
	s15 =	sadd.s32 $0x7D00, s8  }
0xa: {  	s6 =	smul.u32 $0x4E2, s4;
	s4 =	sadd.s32 $0x51200, s1;
	s14 =	sadd.s32 $0x9C400, s7  }
0xb: {  	s0 =	ssub.s32 s0, s9;
	s11 =	sadd.s32 s24, s2;
	s12 =	sadd.s32 s25, s2  }
0xc: {  	s13 =	sadd.s32 s26, s2;
	s16 =	sadd.s32 s7, s8;
	s17 =	sadd.s32 s7, s24  }
0xd: {  	s18 =	sadd.s32 s7, s25;
	s19 =	sadd.s32 s7, s26;
	s7 =	sadd.s32 s7, s15  }
0xe: {  	s21 =	sadd.s32 s8, s14;
	s23 =	sshrl.u32 s10, $0x2;
	s0 =	smax.u32 s0, $0x1  }
0xf: {  	s9 =	sadd.s32 s26, s14;
	s16 =	sshrl.u32 s16, $0x3;
	s18 =	sshrl.u32 s18, $0x3  }
0x10: {  	s8 =	sadd.s32 s8, s2;
	s7 =	sshrl.u32 s7, $0x3;
	s6 =	sadd.s32 s6, s1  }
0x11: {  	s1 =	sadd.s32 $0x64C00, s1;
	s22 =	sshrl.u32 s21, $0x3;
	[dreg:$0x6] =	wrdreg s0  }
0x12: {  	s10 =	sadd.s32 s23, s2;
	s0 =	sadd.s32 s24, s14;
	[dreg:$0x8] =	wrdreg s8  }
0x13: {  	s23 =	sshrl.u32 s19, $0x3;
	s20 =	sadd.s32 $0x2A00, s6;
	s6 =	sadd.s32 $0xC800, s6  }
0x14: {  	s18 =	sadd.s32 s1, s18;
	s0 =	sshrl.u32 s0, $0x3;
	[dreg:$0x3] =	wrdreg s20  }
0x15: {  	s19 =	sadd.s32 s1, s23;
	[dreg:$0x4] =	wrdreg s6;
	s6 =	sadd.s32 s1, s22  }
0x16: {  	s22 =	sadd.s32 s15, s14;
	s20 =	sshrl.u32 s17, $0x3;
	[dreg:$0x5] =	wrdreg s6  }
0x17: {  	s6 =	sadd.s32 s25, s14;
	s14 =	sadd.s32 s15, s2;
	s15 =	sadd.s32 s1, s16  }
0x18: {  	s21 =	sadd.s32 s1, s20;
	s20 =	sadd.s32 s1, s7;
	[dreg:$0x7] =	wrdreg s15  }
0x19: {  	s25 =	sshrl.u32 s9, $0x3;
	s26 =	sshrl.u32 s22, $0x3;
	[dreg:$0x9] =	wrdreg s21  }
0x1a: {  	s21 =	sadd.s32 s1, s0;
	s24 =	sshrl.u32 s6, $0x3;
	s23 =	sadd.s32 s1, s25  }
0x1b: {  	v0 =	vimm.f32 $0.0e+00;
	s25 =	simm.s32 $0x2;
	s22 =	sadd.s32 s1, s24;
	s24 =	sadd.s32 s1, s26  }
.LBB2_1:
0x1c: {  	s1 =	simm.s32 $0x100;
	s0 =	simm.s32 $0x0  }
.LBB2_2:
0x1d: {  	p0 =	sne.s32 s1, $0x7C00;
	[tilespmem:s0+$0x6250] =	vst v0;
	s6 =	smov.u32 s1;
	s1 =	sadd.s32 $0x100, s1  }
.Ltmp0:
0x1e: {  	[tilespmem:s0+$0x6240] =	vst v0;
	(pc) =	sbr.rel @p0 .LBB2_2-.Ltmp0, $3  }
0x1f: {  	[tilespmem:s0+$0x6220] =	vst v0  }
0x20: {  	[tilespmem:s0+$0x6230] =	vst v0;
	_ =	sdelay $0x1  }
0x21: {  	s0 =	sshra.s32 s6, $0x2  }
0x22: {  	[tilespmem:s0+$0x6250] =	vst v0  }
0x23: {  	[tilespmem:s0+$0x6240] =	vst v0  }
0x24: {  	[tilespmem:s0+$0x6220] =	vst v0  }
0x25: {  	[tilespmem:s0+$0x6230] =	vst v0;
	s15 =	simm.s32 $0x0;
	s1 =	rddreg [dreg:$0x3]  }
0x26: {  	[tilespmem:s15], [sflag:$0x2] =	stream.linear.gather [hbm4b:s1+s15], $0x2710, $0x38;
	[tilespmem:$0x11DA0] =	vst v63  }
0x27: {  	_ =	swait.ge [sflag:s25], $0x2710  }
0x28: {  	[sflag:s25] =	ssyncset.done $0x0  }
0x29: {  	s6 =	simm.s32 $0x2710;
	s16 =	rddreg [dreg:$0x4];
	[sflag:s25] =	ssyncadd.s32 $0xFFFFD8F0  }
0x2a: {  	[tilespmem:s6], [sflag:$0x2] =	stream.linear.gather [hbm4b:s16+s15], $0x2710, $0x38;
	[tilespmem:$0x11DA0] =	vst v63  }
0x2b: {  	_ =	swait.ge [sflag:s25], $0x2710  }
0x2c: {  	[sflag:s25] =	ssyncset.done $0x0  }
0x2d: {  	[sflag:s25] =	ssyncadd.s32 $0xFFFFD8F0  }
0x2e: {  	[spmem:s10] =	stream.linear.scatter [tilespmem:s28], [sflag:$0x2], $0x1F40, $0x38;
	[tilespmem:$0x11DA0] =	vst v63  }
0x2f: {  	_ =	swait.ge [sflag:s25], $0x1F40  }
0x30: {  	[sflag:s25] =	ssyncset.done $0x0  }
0x31: {  	[sflag:s25] =	ssyncadd.s32 $0xFFFFE0C0  }
0x32: {  	[spmem:s11] =	stream.linear.scatter [tilespmem:s28], [sflag:$0x2], $0x1F40, $0x38;
	[tilespmem:$0x11DA0] =	vst v63  }
0x33: {  	_ =	swait.ge [sflag:s25], $0x1F40  }
0x34: {  	[sflag:s25] =	ssyncset.done $0x0  }
0x35: {  	[sflag:s25] =	ssyncadd.s32 $0xFFFFE0C0  }
0x36: {  	[spmem:s12] =	stream.linear.scatter [tilespmem:s28], [sflag:$0x2], $0x1F40, $0x38;
	[tilespmem:$0x11DA0] =	vst v63  }
0x37: {  	_ =	swait.ge [sflag:s25], $0x1F40  }
0x38: {  	[sflag:s25] =	ssyncset.done $0x0  }
0x39: {  	[sflag:s25] =	ssyncadd.s32 $0xFFFFE0C0  }
0x3a: {  	[spmem:s13] =	stream.linear.scatter [tilespmem:s28], [sflag:$0x2], $0x1F40, $0x38;
	[tilespmem:$0x11DA0] =	vst v63  }
0x3b: {  	_ =	swait.ge [sflag:s25], $0x1F40  }
0x3c: {  	[sflag:s25] =	ssyncset.done $0x0  }
0x3d: {  	[sflag:s25] =	ssyncadd.s32 $0xFFFFE0C0  }
0x3e: {  	[spmem:s14] =	stream.linear.scatter [tilespmem:s28], [sflag:$0x2], $0x1F40, $0x38;
	[tilespmem:$0x11DA0] =	vst v63  }
0x3f: {  	_ =	swait.ge [sflag:s25], $0x1F40  }
0x40: {  	[sflag:s25] =	ssyncset.done $0x0  }
0x41: {  	[sflag:s25] =	ssyncadd.s32 $0xFFFFE0C0  }
0x42: {  	s17 =	simm.s32 $0x0;
	[bflag:$0x0] =	sbarrier.arrive $0xFFFF  }
0x43: {  	[tilespmem:s30], [sflag:$0x1] =	stream.indirect.gather [hbm4b:s4+s29], $0x40, s17, s29, $0xb8;
	[tilespmem:$0x11DA0] =	vst v63  }
0x44: {  	_ =	swait.ge [sflag:s31], $0x1400  }
0x45: {  	[sflag:s31] =	ssyncset.done $0x0  }
0x46: {  	s26 =	simm.s32 $0x2710;
	[sflag:s31] =	ssyncadd.s32 $0xFFFFEC00  }
0x47: {  	[spmem:s2] =	stream.indirect.scatter.add.f32 [tilespmem:s30], [sflag:$0x2], $0x40, s26, s29, $0xb8;
	[tilespmem:$0x11DA0] =	vst v63  }
0x48: {  	_ =	swait.ge [sflag:s25], $0x1400  }
0x49: {  	s0 =	simm.s32 $0x140;
	s1 =	simm.s32 $0x280;
	[sflag:s25] =	ssyncset.done $0x0  }
.LBB2_4:
0x4a: {  	s6 =	sshra.s32 s0, $0x2  }
0x4b: {  	[sflag:s25] =	ssyncadd.s32 $0xFFFFEC00;
	s0 =	smov.u32 s1;
	s7 =	sadd.s32 $0x140, s1  }
0x4c: {  	[tilespmem:s30], [sflag:$0x1] =	stream.indirect.gather [hbm4b:s4+s29], $0x40, s6, s29, $0xb8;
	[tilespmem:$0x11DA0] =	vst v63  }
0x4d: {  	p0 =	sne.s32 s1, $0x9B00;
	_ =	swait.ge [sflag:s31], $0x1400  }
.Ltmp1:
0x4e: {  	[sflag:s31] =	ssyncset.done $0x0;
	(pc) =	sbr.rel @p0 .LBB2_4-.Ltmp1, $4  }
0x4f: {  	s1 =	sadd.s32 $0x2710, s6;
	[sflag:s31] =	ssyncadd.s32 $0xFFFFEC00  }
0x50: {  	[spmem:s2] =	stream.indirect.scatter.add.f32 [tilespmem:s30], [sflag:$0x2], $0x40, s1, s29, $0xb8;
	[tilespmem:$0x11DA0] =	vst v63  }
0x51: {  	_ =	swait.ge [sflag:s25], $0x1400  }
0x52: {  	s1 =	smov.u32 s7;
	[sflag:s25] =	ssyncset.done $0x0  }
0x53: {  	s0 =	sshra.s32 s0, $0x2;
	[sflag:s25] =	ssyncadd.s32 $0xFFFFEC00  }
0x54: {  	[tilespmem:s30], [sflag:$0x1] =	stream.indirect.gather [hbm4b:s4+s29], $0x40, s0, s29, $0xb8;
	[tilespmem:$0x11DA0] =	vst v63  }
0x55: {  	_ =	swait.ge [sflag:s31], $0x1400  }
0x56: {  	[sflag:s31] =	ssyncset.done $0x0  }
0x57: {  	s0 =	sadd.s32 $0x2710, s0;
	[sflag:s31] =	ssyncadd.s32 $0xFFFFEC00  }
0x58: {  	[spmem:s2] =	stream.indirect.scatter.add.f32 [tilespmem:s30], [sflag:$0x2], $0x40, s0, s29, $0xb8;
	[tilespmem:$0x11DA0] =	vst v63  }
0x59: {  	_ =	swait.ge [sflag:s25], $0x1400  }
0x5a: {  	[sflag:s25] =	ssyncset.done $0x0  }
0x5b: {  	[sflag:s25] =	ssyncadd.s32 $0xFFFFEC00  }
0x5c: {  	s15 =	stileid.u32;
	[bflag:$0x0] =	sbarrier.arrive $0xFFFF  }
0x5d: {  	s0 =	sshll.u32 s15, $0x6;
	s1 =	rddreg [dreg:$0x8]  }
0x5e: {  	s0 =	sor.u32 $0x1C02, s0;
	s6 =	rddreg [dreg:$0x7];
	s1 =	sshrl.u32 s1, $0x3  }
0x5f: {  	[hbm:s6], [sflag:s0] =	dma.local [spmem:s1], $0x3E8  }
0x60: {  	_ =	swait.ge [sflag:s25], $0x3E8  }
0x61: {  	[sflag:s25] =	ssyncset.done $0x0  }
0x62: {  	s26 =	sshrl.u32 s11, $0x3;
	s16 =	rddreg [dreg:$0x9];
	[sflag:s25] =	ssyncadd.s32 $0xFFFFFC18  }
0x63: {  	[hbm:s16], [sflag:s0] =	dma.local [spmem:s26], $0x3E8  }
0x64: {  	_ =	swait.ge [sflag:s25], $0x3E8  }
0x65: {  	[sflag:s25] =	ssyncset.done $0x0  }
0x66: {  	s6 =	sshrl.u32 s12, $0x3;
	[sflag:s25] =	ssyncadd.s32 $0xFFFFFC18  }
0x67: {  	[hbm:s18], [sflag:s0] =	dma.local [spmem:s6], $0x3E8  }
0x68: {  	_ =	swait.ge [sflag:s25], $0x3E8  }
0x69: {  	[sflag:s25] =	ssyncset.done $0x0  }
0x6a: {  	s7 =	sshrl.u32 s13, $0x3;
	[sflag:s25] =	ssyncadd.s32 $0xFFFFFC18  }
0x6b: {  	[hbm:s19], [sflag:s0] =	dma.local [spmem:s7], $0x3E8  }
0x6c: {  	_ =	swait.ge [sflag:s25], $0x3E8  }
0x6d: {  	[sflag:s25] =	ssyncset.done $0x0  }
0x6e: {  	s8 =	sshrl.u32 s14, $0x3;
	[sflag:s25] =	ssyncadd.s32 $0xFFFFFC18  }
0x6f: {  	[hbm:s20], [sflag:s0] =	dma.local [spmem:s8], $0x3E8  }
0x70: {  	_ =	swait.ge [sflag:s25], $0x3E8  }
0x71: {  	[sflag:s25] =	ssyncset.done $0x0  }
0x72: {  	[sflag:s25] =	ssyncadd.s32 $0xFFFFFC18  }
0x73: {  	[spmem:s10] =	stream.linear.scatter [tilespmem:s28], [sflag:$0x2], $0x1F40, $0x38;
	[tilespmem:$0x11DA0] =	vst v63  }
0x74: {  	_ =	swait.ge [sflag:s25], $0x1F40  }
0x75: {  	[sflag:s25] =	ssyncset.done $0x0  }
0x76: {  	[sflag:s25] =	ssyncadd.s32 $0xFFFFE0C0  }
0x77: {  	[spmem:s11] =	stream.linear.scatter [tilespmem:s28], [sflag:$0x2], $0x1F40, $0x38;
	[tilespmem:$0x11DA0] =	vst v63  }
0x78: {  	_ =	swait.ge [sflag:s25], $0x1F40  }
0x79: {  	[sflag:s25] =	ssyncset.done $0x0  }
0x7a: {  	[sflag:s25] =	ssyncadd.s32 $0xFFFFE0C0  }
0x7b: {  	[spmem:s12] =	stream.linear.scatter [tilespmem:s28], [sflag:$0x2], $0x1F40, $0x38;
	[tilespmem:$0x11DA0] =	vst v63  }
0x7c: {  	_ =	swait.ge [sflag:s25], $0x1F40  }
0x7d: {  	[sflag:s25] =	ssyncset.done $0x0  }
0x7e: {  	[sflag:s25] =	ssyncadd.s32 $0xFFFFE0C0  }
0x7f: {  	[spmem:s13] =	stream.linear.scatter [tilespmem:s28], [sflag:$0x2], $0x1F40, $0x38;
	[tilespmem:$0x11DA0] =	vst v63  }
0x80: {  	_ =	swait.ge [sflag:s25], $0x1F40  }
0x81: {  	[sflag:s25] =	ssyncset.done $0x0  }
0x82: {  	[sflag:s25] =	ssyncadd.s32 $0xFFFFE0C0  }
0x83: {  	[spmem:s14] =	stream.linear.scatter [tilespmem:s28], [sflag:$0x2], $0x1F40, $0x38;
	[tilespmem:$0x11DA0] =	vst v63  }
0x84: {  	_ =	swait.ge [sflag:s25], $0x1F40  }
0x85: {  	[sflag:s25] =	ssyncset.done $0x0  }
0x86: {  	[sflag:s25] =	ssyncadd.s32 $0xFFFFE0C0  }
0x87: {  	s9 =	simm.s32 $0x0;
	[bflag:$0x0] =	sbarrier.arrive $0xFFFF  }
0x88: {  	[tilespmem:s30], [sflag:$0x1] =	stream.indirect.gather [hbm4b:s5+s29], $0x40, s9, s29, $0xb8;
	[tilespmem:$0x11DA0] =	vst v63  }
0x89: {  	_ =	swait.ge [sflag:s31], $0x1400  }
0x8a: {  	[sflag:s31] =	ssyncset.done $0x0  }
0x8b: {  	s17 =	simm.s32 $0x2710;
	[sflag:s31] =	ssyncadd.s32 $0xFFFFEC00  }
0x8c: {  	[spmem:s2] =	stream.indirect.scatter.add.f32 [tilespmem:s30], [sflag:$0x2], $0x40, s17, s29, $0xb8;
	[tilespmem:$0x11DA0] =	vst v63  }
0x8d: {  	_ =	swait.ge [sflag:s25], $0x1400  }
0x8e: {  	s15 =	simm.s32 $0x280;
	s9 =	simm.s32 $0x140;
	[sflag:s25] =	ssyncset.done $0x0  }
.LBB2_6:
0x8f: {  	s16 =	sshra.s32 s9, $0x2  }
0x90: {  	[sflag:s25] =	ssyncadd.s32 $0xFFFFEC00;
	s9 =	smov.u32 s15;
	s17 =	sadd.s32 $0x140, s15  }
0x91: {  	[tilespmem:s30], [sflag:$0x1] =	stream.indirect.gather [hbm4b:s5+s29], $0x40, s16, s29, $0xb8;
	[tilespmem:$0x11DA0] =	vst v63  }
0x92: {  	p0 =	sne.s32 s15, $0x9B00;
	_ =	swait.ge [sflag:s31], $0x1400  }
.Ltmp2:
0x93: {  	[sflag:s31] =	ssyncset.done $0x0;
	(pc) =	sbr.rel @p0 .LBB2_6-.Ltmp2, $4  }
0x94: {  	s15 =	sadd.s32 $0x2710, s16;
	[sflag:s31] =	ssyncadd.s32 $0xFFFFEC00  }
0x95: {  	[spmem:s2] =	stream.indirect.scatter.add.f32 [tilespmem:s30], [sflag:$0x2], $0x40, s15, s29, $0xb8;
	[tilespmem:$0x11DA0] =	vst v63  }
0x96: {  	_ =	swait.ge [sflag:s25], $0x1400  }
0x97: {  	s15 =	smov.u32 s17;
	[sflag:s25] =	ssyncset.done $0x0  }
0x98: {  	s9 =	sshra.s32 s9, $0x2;
	[sflag:s25] =	ssyncadd.s32 $0xFFFFEC00  }
0x99: {  	[tilespmem:s30], [sflag:$0x1] =	stream.indirect.gather [hbm4b:s5+s29], $0x40, s9, s29, $0xb8;
	[tilespmem:$0x11DA0] =	vst v63  }
0x9a: {  	_ =	swait.ge [sflag:s31], $0x1400  }
0x9b: {  	[sflag:s31] =	ssyncset.done $0x0  }
0x9c: {  	s9 =	sadd.s32 $0x2710, s9;
	[sflag:s31] =	ssyncadd.s32 $0xFFFFEC00  }
0x9d: {  	[spmem:s2] =	stream.indirect.scatter.add.f32 [tilespmem:s30], [sflag:$0x2], $0x40, s9, s29, $0xb8;
	[tilespmem:$0x11DA0] =	vst v63  }
0x9e: {  	_ =	swait.ge [sflag:s25], $0x1400  }
0x9f: {  	[sflag:s25] =	ssyncset.done $0x0  }
0xa0: {  	[sflag:s25] =	ssyncadd.s32 $0xFFFFEC00  }
0xa1: {  	[bflag:$0x0] =	sbarrier.arrive $0xFFFF  }
0xa2: {  	s17 =	rddreg [dreg:$0x5]  }
0xa3: {  	[hbm:s17], [sflag:s0] =	dma.local [spmem:s1], $0x3E8  }
0xa4: {  	_ =	swait.ge [sflag:s25], $0x3E8  }
0xa5: {  	[sflag:s25] =	ssyncset.done $0x0  }
0xa6: {  	[sflag:s25] =	ssyncadd.s32 $0xFFFFFC18  }
0xa7: {  	[hbm:s21], [sflag:s0] =	dma.local [spmem:s26], $0x3E8  }
0xa8: {  	_ =	swait.ge [sflag:s25], $0x3E8  }
0xa9: {  	[sflag:s25] =	ssyncset.done $0x0  }
0xaa: {  	[sflag:s25] =	ssyncadd.s32 $0xFFFFFC18  }
0xab: {  	[hbm:s22], [sflag:s0] =	dma.local [spmem:s6], $0x3E8  }
0xac: {  	_ =	swait.ge [sflag:s25], $0x3E8  }
0xad: {  	[sflag:s25] =	ssyncset.done $0x0  }
0xae: {  	[sflag:s25] =	ssyncadd.s32 $0xFFFFFC18  }
0xaf: {  	[hbm:s23], [sflag:s0] =	dma.local [spmem:s7], $0x3E8  }
0xb0: {  	_ =	swait.ge [sflag:s25], $0x3E8  }
0xb1: {  	[sflag:s25] =	ssyncset.done $0x0  }
0xb2: {  	[sflag:s25] =	ssyncadd.s32 $0xFFFFFC18  }
0xb3: {  	[hbm:s24], [sflag:s0] =	dma.local [spmem:s8], $0x3E8  }
0xb4: {  	_ =	swait.ge [sflag:s25], $0x3E8  }
0xb5: {  	s3 =	sadd.s32 $0x1, s3;
	s26 =	rddreg [dreg:$0x6]  }
0xb6: {  	p0 =	sne.s32 s3, s26  }
.Ltmp3:
0xb7: {  	_ = 	snop;
	(pc) =	sbr.rel @p0 .LBB2_1-.Ltmp3, $3  }
0xb8: {  	_ =	sdelay $0x1  }
0xb9: {  	[sflag:s25] =	ssyncset.done $0x0  }
0xba: {  	[sflag:s25] =	ssyncadd.s32 $0xFFFFFC18  }
0xbb: {  	_ =	sfence.sel $0x180000  }
0xbc: {  	[bflag:$0x0] =	sbarrier.arrive $0xFFFF  }
0xbd: {  	_ =	strace $0x9000004D  }
0xbe: {  	s0 =	stileid.u32;
	[bflag:$0x2] =	sbarrier.arrive $0xFFFF  }
0xbf: {  	p0 =	sne.s32 s0, $0x0;
	s0 =	rddreg [dreg:$0x2]  }
0xc0: {  	s0 =	sadd.s32 @!p0 $0x100000, s0  }
0xc1: {  	[sflag:s0] =	ssyncadd.tile.s32 @!p0 $0x1;
	_ =	shalt  }
.Lfunc_end2:
_tile_overlayer_lowered:
.L_overlay_start_2:
0xc2: {  	(tag) =	ssettag $0x2  }
0xc3: {  	s0 =	rddreg [dreg:$0x0];
	s2 =	stileid.u32  }
0xc4: {  	s1 =	rddreg [dreg:$0x1];
	p0 =	sne.s32 s2, $0x0  }
0xc5: {  	s3 =	rddreg [dreg:$0x2];
	[bflag:$0x3] =	sbarrier.arrive $0xFFFF;
	s2 =	simm.s32 @!p0 $0x1C02  }
0xc6: {  	[timem:s3], [sflag:s2] =	dma.local @!p0 [hbm:s0], s1  }
0xc7: {  	s0 =	simm.s32 @!p0 $0x2  }
0xc8: {  	_ =	swait.ge @!p0 [sflag:s0], s1  }
0xc9: {  	s1 =	ssub.s32 @!p0 $0x0, s1;
	[sflag:s0] =	ssyncset.done @!p0 $0x0  }
0xca: {  	[sflag:s0] =	ssyncadd.s32 @!p0 s1  }
0xcb: {  	[bflag:$0x3] =	sbarrier.arrive $0xFFFF  }
0xcc: {  	_ =	shalt  }

</sc_bundles>
